<compile_context>
chip_gen: v7x
topology: tpu7x:2x2x1
jax: 0.10.2.dev20260603
libtpu: 0.0.44.dev20260713+nightly
codegen_flags: <defaults>
</compile_context>

<pallas_src>
import functools

import jax
import jax.numpy as jnp
from jax import lax
from jax.experimental import pallas as pl
from jax.experimental.pallas import tpu as pltpu
from jax.experimental.pallas import tpu_sc as plsc

N = 10000
E = 320000
H = 128

NC = 2
NS = 16
NW = NC * NS
EPW = E // NW
CHUNK = 80
NCHUNK = EPW // CHUNK
N_PAD = 10240
ROWS_PER_TILE = N_PAD // NS

_f32 = jnp.float32
_bf16 = jnp.bfloat16



def _k1_body(x_ref, ws_ref, wd_ref, be1_ref, xs_ref, xd_ref):
    xb = x_ref[...]
    xs_ref[...] = jnp.dot(xb, ws_ref[...], preferred_element_type=_f32) + be1_ref[...]
    xd_ref[...] = jnp.dot(xb, wd_ref[...], preferred_element_type=_f32)


def _k3_body(e_ref, g1_ref, g2_ref, w1_ref, w2_ref, be2_ref, eout_ref, eup_ref):
    eb = e_ref[...]
    z = (jnp.dot(eb.astype(_bf16), w1_ref[...], preferred_element_type=_f32)
         + g1_ref[...] + g2_ref[...])
    h = z * jax.nn.sigmoid(z)
    up = jnp.dot(h.astype(_bf16), w2_ref[...], preferred_element_type=_f32) + be2_ref[...]
    eup_ref[...] = up
    eout_ref[...] = eb + up


def _k5_body(x_ref, p_ref, wx_ref, wa_ref, bn1_ref, wn2_ref, bn2_ref, out_ref):
    xb = x_ref[...]
    agg = p_ref[0] + p_ref[1]
    z = (jnp.dot(xb, wx_ref[...], preferred_element_type=_f32)
         + jnp.dot(agg, wa_ref[...], preferred_element_type=_f32)
         + bn1_ref[...])
    h = z * jax.nn.sigmoid(z)
    out_ref[...] = xb + jnp.dot(h, wn2_ref[...], preferred_element_type=_f32) + bn2_ref[...]



_MESH = plsc.VectorSubcoreMesh(core_axis_name="c", subcore_axis_name="s")


def _worker_id():
    return lax.axis_index("s") * NC + lax.axis_index("c")


@functools.partial(
    pl.kernel,
    out_type=[jax.ShapeDtypeStruct((E, H), _f32),
              jax.ShapeDtypeStruct((E, H), _f32)],
    mesh=_MESH,
    scratch_types=[
        pltpu.VMEM((NCHUNK, CHUNK), jnp.int32),
        pltpu.VMEM((NCHUNK, CHUNK), jnp.int32),
        pltpu.VMEM((CHUNK, H), _f32),
        pltpu.VMEM((CHUNK, H), _f32),
        pltpu.VMEM((CHUNK, H), _f32),
        pltpu.VMEM((CHUNK, H), _f32),
        pltpu.SemaphoreType.DMA,
        pltpu.SemaphoreType.DMA,
        pltpu.SemaphoreType.DMA,
        pltpu.SemaphoreType.DMA,
    ],
)
def _gather_kernel(src_hbm, dst_hbm, xs_hbm, xd_hbm, g1_hbm, g2_hbm,
                   sidx, didx, b1a, b2a, b1b, b2b, gsa, gsb, wsa, wsb):
    wid = _worker_id()
    base = wid * EPW
    pltpu.sync_copy(src_hbm.at[wid], sidx)
    pltpu.sync_copy(dst_hbm.at[wid], didx)

    def issue_gathers(j, b1, b2, sem):
        pltpu.async_copy(xs_hbm.at[sidx.at[j]], b1, sem)
        pltpu.async_copy(xd_hbm.at[didx.at[j]], b2, sem)

    def wait_gathers(j, b1, b2, sem):
        pltpu.make_async_copy(xs_hbm.at[sidx.at[j]], b1, sem).wait()
        pltpu.make_async_copy(xd_hbm.at[didx.at[j]], b2, sem).wait()

    def issue_writes(j, b1, b2, sem):
        pltpu.async_copy(b1, g1_hbm.at[pl.ds(base + j * CHUNK, CHUNK)], sem)
        pltpu.async_copy(b2, g2_hbm.at[pl.ds(base + j * CHUNK, CHUNK)], sem)

    def wait_writes(j, b1, b2, sem):
        pltpu.make_async_copy(b1, g1_hbm.at[pl.ds(base + j * CHUNK, CHUNK)], sem).wait()
        pltpu.make_async_copy(b2, g2_hbm.at[pl.ds(base + j * CHUNK, CHUNK)], sem).wait()

    issue_gathers(0, b1a, b2a, gsa)

    def step(t, carry):
        c0 = 2 * t
        c1 = c0 + 1
        c2 = c0 + 2
        wait_gathers(c0, b1a, b2a, gsa)
        issue_gathers(c1, b1b, b2b, gsb)
        issue_writes(c0, b1a, b2a, wsa)
        wait_gathers(c1, b1b, b2b, gsb)
        wait_writes(c0, b1a, b2a, wsa)
        issue_gathers(c2, b1a, b2a, gsa)
        issue_writes(c1, b1b, b2b, wsb)
        wait_writes(c1, b1b, b2b, wsb)
        return carry

    lax.fori_loop(0, (NCHUNK - 1) // 2, step, 0)
    last = NCHUNK - 1
    wait_gathers(last, b1a, b2a, gsa)
    issue_writes(last, b1a, b2a, wsa)
    wait_writes(last, b1a, b2a, wsa)


@functools.partial(
    pl.kernel,
    out_type=jax.ShapeDtypeStruct((NC, N_PAD, H), _f32),
    mesh=_MESH,
    scratch_types=[
        pltpu.VMEM((NCHUNK, CHUNK), jnp.int32),
        pltpu.VMEM((CHUNK, H), _f32),
        pltpu.VMEM((CHUNK, H), _f32),
        pltpu.VMEM_SHARED((N_PAD, H), _f32),
        pltpu.SemaphoreType.DMA,
        pltpu.SemaphoreType.DMA,
    ],
)
def _scatter_kernel(dst_hbm, eup_hbm, part_hbm, didx, ebufa, ebufb, agg,
                    lsa, lsb):
    cid = lax.axis_index("c")
    sid = lax.axis_index("s")
    wid = _worker_id()
    base = wid * EPW

    pltpu.sync_copy(dst_hbm.at[wid], didx)

    zeros16 = jnp.zeros((16,), _f32)

    def zrow(i, carry):
        for c in range(H // 16):
            ebufa[i, pl.ds(c * 16, 16)] = zeros16
        return carry

    lax.fori_loop(0, CHUNK, zrow, 0)
    for rep in range(ROWS_PER_TILE // CHUNK):
        pltpu.sync_copy(ebufa, agg.at[pl.ds(sid * ROWS_PER_TILE + rep * CHUNK, CHUNK)])
    plsc.subcore_barrier()

    def issue_load(j, buf, sem):
        pltpu.async_copy(eup_hbm.at[pl.ds(base + j * CHUNK, CHUNK)], buf, sem)

    def wait_load(j, buf, sem):
        pltpu.make_async_copy(eup_hbm.at[pl.ds(base + j * CHUNK, CHUNK)], buf, sem).wait()

    issue_load(0, ebufa, lsa)

    def step(t, carry):
        c0 = 2 * t
        c1 = c0 + 1
        c2 = c0 + 2
        wait_load(c0, ebufa, lsa)
        issue_load(c1, ebufb, lsb)
        pltpu.sync_copy(ebufa, agg.at[didx.at[c0]], add=True)
        issue_load(c2, ebufa, lsa)
        wait_load(c1, ebufb, lsb)
        pltpu.sync_copy(ebufb, agg.at[didx.at[c1]], add=True)
        return carry

    lax.fori_loop(0, (NCHUNK - 1) // 2, step, 0)
    last = NCHUNK - 1
    wait_load(last, ebufa, lsa)
    pltpu.sync_copy(ebufa, agg.at[didx.at[last]], add=True)
    plsc.subcore_barrier()
    pltpu.sync_copy(agg.at[pl.ds(sid * ROWS_PER_TILE, ROWS_PER_TILE)],
                    part_hbm.at[cid, pl.ds(sid * ROWS_PER_TILE, ROWS_PER_TILE)])



def kernel(x, edge_index, e, We1, be1, We2, be2, Wn1, bn1, Wn2, bn2):
    src = edge_index[0].astype(jnp.int32).reshape(NW, NCHUNK, CHUNK)
    dst = edge_index[1].astype(jnp.int32).reshape(NW, NCHUNK, CHUNK)

    W1e, W1s, W1d = We1[:H], We1[H:2 * H], We1[2 * H:]
    Wn1x, Wn1a = Wn1[:H], Wn1[H:]
    be1_2d = be1.reshape(1, H)
    be2_2d = be2.reshape(1, H)
    bn1_2d = bn1.reshape(1, H)
    bn2_2d = bn2.reshape(1, H)

    xs_proj, xd_proj = pl.pallas_call(
        _k1_body,
        out_shape=[jax.ShapeDtypeStruct((N, H), _f32),
                   jax.ShapeDtypeStruct((N, H), _f32)],
    )(x, W1s, W1d, be1_2d)

    g1, g2 = _gather_kernel(src, dst, xs_proj, xd_proj)

    BE = 2000
    grid = E // BE
    e_out, e_up = pl.pallas_call(
        _k3_body,
        grid=(grid,),
        in_specs=[
            pl.BlockSpec((BE, H), lambda i: (i, 0)),
            pl.BlockSpec((BE, H), lambda i: (i, 0)),
            pl.BlockSpec((BE, H), lambda i: (i, 0)),
            pl.BlockSpec((H, H), lambda i: (0, 0)),
            pl.BlockSpec((H, H), lambda i: (0, 0)),
            pl.BlockSpec((1, H), lambda i: (0, 0)),
        ],
        out_specs=[
            pl.BlockSpec((BE, H), lambda i: (i, 0)),
            pl.BlockSpec((BE, H), lambda i: (i, 0)),
        ],
        out_shape=[jax.ShapeDtypeStruct((E, H), _f32),
                   jax.ShapeDtypeStruct((E, H), _f32)],
    )(e, g1, g2, W1e.astype(_bf16), We2.astype(_bf16), be2_2d)

    partials = _scatter_kernel(dst, e_up)[:, :N, :]

    x_out = pl.pallas_call(
        _k5_body,
        out_shape=jax.ShapeDtypeStruct((N, H), _f32),
    )(x, partials, Wn1x, Wn1a, bn1_2d, Wn2, bn2_2d)

    return (x_out, e_out)

# --- scband reference (transcript-rebuilt; emitter-appended) ---
"""Pipeline reference for scband-gnblock-46883863003527 (READ-ONLY COPY).

The authoritative reference and input builder live on the scoring server;
editing this copy changes nothing except your own understanding.
"""

import jax, jax.numpy as jnp
import numpy as np

N = 10000
E = 320000
H = 128

def _init_linear(key, fan_in, fan_out):
    kw, kb = jax.random.split(key)
    bound = 1.0 / np.sqrt(fan_in)
    W = jax.random.uniform(kw, (fan_in, fan_out), jnp.float32, -bound, bound)
    b = jax.random.uniform(kb, (fan_out,), jnp.float32, -bound, bound)
    return W, b

def setup_inputs(seed: int = 0) -> dict:
    key = jax.random.key(seed)
    ks = jax.random.split(key, 8)
    x = jax.random.normal(ks[0], (N, H), jnp.float32)
    e = jax.random.normal(ks[1], (E, H), jnp.float32)
    edge_index = jax.random.randint(ks[2], (2, E), 0, N, jnp.int64)
    We1, be1 = _init_linear(ks[3], 3 * H, H)
    We2, be2 = _init_linear(ks[4], H, H)
    Wn1, bn1 = _init_linear(ks[5], 2 * H, H)
    Wn2, bn2 = _init_linear(ks[6], H, H)
    return {"x": x, "edge_index": edge_index, "e": e,
            "We1": We1, "be1": be1, "We2": We2, "be2": be2,
            "Wn1": Wn1, "bn1": bn1, "Wn2": Wn2, "bn2": bn2}

def reference(x, edge_index, e, We1, be1, We2, be2, Wn1, bn1, Wn2, bn2):
    src = edge_index[0]
    dst = edge_index[1]
    e_in = jnp.concatenate([e, x[src], x[dst]], axis=-1)
    h = jax.nn.silu(e_in @ We1 + be1)
    e_up = h @ We2 + be2
    agg = jax.ops.segment_sum(e_up, dst, num_segments=x.shape[0])
    x_in = jnp.concatenate([x, agg], axis=-1)
    hn = jax.nn.silu(x_in @ Wn1 + bn1)
    x_up = hn @ Wn2 + bn2
    return (x + x_up, e + e_up)

if __name__ == "__main__":
    import jax
    _d = setup_inputs()
    print(jax.jit(kernel)(*tuple(_d.values())))

</pallas_src>

<mosaic_0001>
#map = affine_map<(d0, d1) -> (0, 0, 0)>
#map1 = affine_map<(d0, d1) -> (0, 0)>
module attributes {stable_mosaic.version = 14 : i64} {
  func.func @_scatter_kernel(%arg0: i32, %arg1: i32, %arg2: memref<32x125x80xi32, #tpu.memory_space<hbm>>, %arg3: memref<320000x128xf32, #tpu.memory_space<hbm>>, %arg4: memref<2x10240x128xf32, #tpu.memory_space<hbm>>, %arg5: memref<125x80xi32, #tpu.memory_space<vmem>>, %arg6: memref<80x128xf32, #tpu.memory_space<vmem>>, %arg7: memref<80x128xf32, #tpu.memory_space<vmem>>, %arg8: memref<10240x128xf32, #tpu.memory_space<vmem_shared>>, %arg9: memref<!tpu.dma_semaphore, #tpu.memory_space<semaphore_mem>>, %arg10: memref<!tpu.dma_semaphore, #tpu.memory_space<semaphore_mem>>) attributes {dimension_semantics = [#tpu.dimension_semantics<core_parallel>, #tpu.dimension_semantics<subcore_parallel>], iteration_bounds = array<i64: 2, 16>, scalar_prefetch = 0 : i64, scratch_operands = 6 : i64, tpu.core_type = #tpu.core_type<sc_vector_subcore>, window_params = [{transform_indices = #map}, {transform_indices = #map1}, {transform_indices = #map}]} {
    %mul3A = arith.constant 2 : i32
    %mul3A_0 = arith.muli %arg1, %mul3A : i32
    %add3A = arith.addi %mul3A_0, %arg0 : i32
    %mul3A_1 = arith.constant 10000 : i32
    %mul3A_2 = arith.muli %add3A, %mul3A_1 : i32
    "tpu.region"() ({
      %run_scoped3A_62 = tpu.sem_alloc : memref<!tpu.dma_semaphore, #tpu.memory_space<semaphore_mem>>
      %dma_start3A_63 = arith.constant 0 : i32
      %dma_start3A_64 = arith.constant 0 : i32
      %dma_start3A_65 = tpu.memref_slice %arg2[%add3A, %dma_start3A_63, %dma_start3A_64] : memref<32x125x80xi32, #tpu.memory_space<hbm>> -> memref<1x125x80xi32, #tpu.memory_space<hbm>>
      %dma_start3A_66 = tpu.memref_squeeze %dma_start3A_65 : memref<1x125x80xi32, #tpu.memory_space<hbm>> -> memref<125x80xi32, #tpu.memory_space<hbm>>
      %dma_start3A_67 = arith.constant 0 : i32
      %dma_start3A_68 = arith.constant 0 : i32
      %dma_start3A_69 = tpu.memref_slice %arg2[%add3A, %dma_start3A_67, %dma_start3A_68] : memref<32x125x80xi32, #tpu.memory_space<hbm>> -> memref<1x125x80xi32, #tpu.memory_space<hbm>>
      %dma_start3A_70 = tpu.memref_squeeze %dma_start3A_69 : memref<1x125x80xi32, #tpu.memory_space<hbm>> -> memref<125x80xi32, #tpu.memory_space<hbm>>
      tpu.enqueue_dma source(%dma_start3A_70 : memref<125x80xi32, #tpu.memory_space<hbm>>) target(%arg5 : memref<125x80xi32, #tpu.memory_space<vmem>>) target_semaphore(%run_scoped3A_62 : memref<!tpu.dma_semaphore, #tpu.memory_space<semaphore_mem>>)
      %dma_wait3A_71 = arith.constant 0 : i32
      %dma_wait3A_72 = arith.constant 0 : i32
      %dma_wait3A_73 = tpu.memref_slice %arg2[%add3A, %dma_wait3A_71, %dma_wait3A_72] : memref<32x125x80xi32, #tpu.memory_space<hbm>> -> memref<1x125x80xi32, #tpu.memory_space<hbm>>
      %dma_wait3A_74 = tpu.memref_squeeze %dma_wait3A_73 : memref<1x125x80xi32, #tpu.memory_space<hbm>> -> memref<125x80xi32, #tpu.memory_space<hbm>>
      %dma_wait3A_75 = arith.constant 0 : i32
      %dma_wait3A_76 = arith.constant 0 : i32
      %dma_wait3A_77 = tpu.memref_slice %arg2[%add3A, %dma_wait3A_75, %dma_wait3A_76] : memref<32x125x80xi32, #tpu.memory_space<hbm>> -> memref<1x125x80xi32, #tpu.memory_space<hbm>>
      %dma_wait3A_78 = tpu.memref_squeeze %dma_wait3A_77 : memref<1x125x80xi32, #tpu.memory_space<hbm>> -> memref<125x80xi32, #tpu.memory_space<hbm>>
      tpu.wait_dma2 semaphore(%run_scoped3A_62 : memref<!tpu.dma_semaphore, #tpu.memory_space<semaphore_mem>>) src(%dma_wait3A_78 : memref<125x80xi32, #tpu.memory_space<hbm>>) dst(%arg5 : memref<125x80xi32, #tpu.memory_space<vmem>>)
      tpu.yield
    }) : () -> ()
    %broadcast_in_dim3A = arith.constant 0.000000e+00 : f32
    %broadcast_in_dim3A_3 = vector.broadcast %broadcast_in_dim3A : f32 to vector<16xf32>
    %scan3A = arith.constant 0 : i32
    %scan3A_4 = arith.constant 0 : i32
    %scan3A_5 = arith.constant 80 : i32
    %scan3A_6 = arith.addi %scan3A_4, %scan3A_5 : i32
    %scan3A_7 = arith.constant 1 : i32
    scf.for %scan3A_62 = %scan3A_4 to %scan3A_6 step %scan3A_7  : i32 {
      %swap3A = arith.index_cast %scan3A_62 : i32 to index
      %swap3A_63 = arith.constant 0 : index
      %swap3A_64 = tpu.vector_load %arg6[%swap3A, %swap3A_63] {strides = array<i32>} : memref<80x128xf32, #tpu.memory_space<vmem>>, vector<1x16xf32>,
      %swap3A_65 = vector.shape_cast %swap3A_64 : vector<1x16xf32> to vector<16xf32>
      %swap3A_66 = vector.shape_cast %broadcast_in_dim3A_3 : vector<16xf32> to vector<1x16xf32>
      tpu.vector_store %arg6[%swap3A, %swap3A_63], %swap3A_66 {strides = array<i32>} : memref<80x128xf32, #tpu.memory_space<vmem>>, vector<1x16xf32>,
      %swap3A_67 = arith.index_cast %scan3A_62 : i32 to index
      %swap3A_68 = arith.constant 16 : index
      %swap3A_69 = tpu.vector_load %arg6[%swap3A_67, %swap3A_68] {strides = array<i32>} : memref<80x128xf32, #tpu.memory_space<vmem>>, vector<1x16xf32>,
      %swap3A_70 = vector.shape_cast %swap3A_69 : vector<1x16xf32> to vector<16xf32>
      %swap3A_71 = vector.shape_cast %broadcast_in_dim3A_3 : vector<16xf32> to vector<1x16xf32>
      tpu.vector_store %arg6[%swap3A_67, %swap3A_68], %swap3A_71 {strides = array<i32>} : memref<80x128xf32, #tpu.memory_space<vmem>>, vector<1x16xf32>,
      %swap3A_72 = arith.index_cast %scan3A_62 : i32 to index
      %swap3A_73 = arith.constant 32 : index
      %swap3A_74 = tpu.vector_load %arg6[%swap3A_72, %swap3A_73] {strides = array<i32>} : memref<80x128xf32, #tpu.memory_space<vmem>>, vector<1x16xf32>,
      %swap3A_75 = vector.shape_cast %swap3A_74 : vector<1x16xf32> to vector<16xf32>
      %swap3A_76 = vector.shape_cast %broadcast_in_dim3A_3 : vector<16xf32> to vector<1x16xf32>
      tpu.vector_store %arg6[%swap3A_72, %swap3A_73], %swap3A_76 {strides = array<i32>} : memref<80x128xf32, #tpu.memory_space<vmem>>, vector<1x16xf32>,
      %swap3A_77 = arith.index_cast %scan3A_62 : i32 to index
      %swap3A_78 = arith.constant 48 : index
      %swap3A_79 = tpu.vector_load %arg6[%swap3A_77, %swap3A_78] {strides = array<i32>} : memref<80x128xf32, #tpu.memory_space<vmem>>, vector<1x16xf32>,
      %swap3A_80 = vector.shape_cast %swap3A_79 : vector<1x16xf32> to vector<16xf32>
      %swap3A_81 = vector.shape_cast %broadcast_in_dim3A_3 : vector<16xf32> to vector<1x16xf32>
      tpu.vector_store %arg6[%swap3A_77, %swap3A_78], %swap3A_81 {strides = array<i32>} : memref<80x128xf32, #tpu.memory_space<vmem>>, vector<1x16xf32>,
      %swap3A_82 = arith.index_cast %scan3A_62 : i32 to index
      %swap3A_83 = arith.constant 64 : index
      %swap3A_84 = tpu.vector_load %arg6[%swap3A_82, %swap3A_83] {strides = array<i32>} : memref<80x128xf32, #tpu.memory_space<vmem>>, vector<1x16xf32>,
      %swap3A_85 = vector.shape_cast %swap3A_84 : vector<1x16xf32> to vector<16xf32>
      %swap3A_86 = vector.shape_cast %broadcast_in_dim3A_3 : vector<16xf32> to vector<1x16xf32>
      tpu.vector_store %arg6[%swap3A_82, %swap3A_83], %swap3A_86 {strides = array<i32>} : memref<80x128xf32, #tpu.memory_space<vmem>>, vector<1x16xf32>,
      %swap3A_87 = arith.index_cast %scan3A_62 : i32 to index
      %swap3A_88 = arith.constant 80 : index
      %swap3A_89 = tpu.vector_load %arg6[%swap3A_87, %swap3A_88] {strides = array<i32>} : memref<80x128xf32, #tpu.memory_space<vmem>>, vector<1x16xf32>,
      %swap3A_90 = vector.shape_cast %swap3A_89 : vector<1x16xf32> to vector<16xf32>
      %swap3A_91 = vector.shape_cast %broadcast_in_dim3A_3 : vector<16xf32> to vector<1x16xf32>
      tpu.vector_store %arg6[%swap3A_87, %swap3A_88], %swap3A_91 {strides = array<i32>} : memref<80x128xf32, #tpu.memory_space<vmem>>, vector<1x16xf32>,
      %swap3A_92 = arith.index_cast %scan3A_62 : i32 to index
      %swap3A_93 = arith.constant 96 : index
      %swap3A_94 = tpu.vector_load %arg6[%swap3A_92, %swap3A_93] {strides = array<i32>} : memref<80x128xf32, #tpu.memory_space<vmem>>, vector<1x16xf32>,
      %swap3A_95 = vector.shape_cast %swap3A_94 : vector<1x16xf32> to vector<16xf32>
      %swap3A_96 = vector.shape_cast %broadcast_in_dim3A_3 : vector<16xf32> to vector<1x16xf32>
      tpu.vector_store %arg6[%swap3A_92, %swap3A_93], %swap3A_96 {strides = array<i32>} : memref<80x128xf32, #tpu.memory_space<vmem>>, vector<1x16xf32>,
      %swap3A_97 = arith.index_cast %scan3A_62 : i32 to index
      %swap3A_98 = arith.constant 112 : index
      %swap3A_99 = tpu.vector_load %arg6[%swap3A_97, %swap3A_98] {strides = array<i32>} : memref<80x128xf32, #tpu.memory_space<vmem>>, vector<1x16xf32>,
      %swap3A_100 = vector.shape_cast %swap3A_99 : vector<1x16xf32> to vector<16xf32>
      %swap3A_101 = vector.shape_cast %broadcast_in_dim3A_3 : vector<16xf32> to vector<1x16xf32>
      tpu.vector_store %arg6[%swap3A_97, %swap3A_98], %swap3A_101 {strides = array<i32>} : memref<80x128xf32, #tpu.memory_space<vmem>>, vector<1x16xf32>,
    }
    %scan3A_8 = arith.constant 80 : i32
    %mul3A_9 = arith.constant 640 : i32
    %mul3A_10 = arith.muli %arg1, %mul3A_9 : i32
    %add3A_11 = arith.constant 0 : i32
    %add3A_12 = arith.addi %mul3A_10, %add3A_11 : i32
    "tpu.region"() ({
      %run_scoped3A_62 = tpu.sem_alloc : memref<!tpu.dma_semaphore, #tpu.memory_space<semaphore_mem>>
      %dma_start3A_63 = arith.constant 0 : i32
      %dma_start3A_64 = tpu.memref_slice %arg8[%add3A_12, %dma_start3A_63] : memref<10240x128xf32, #tpu.memory_space<vmem_shared>> -> memref<80x128xf32, #tpu.memory_space<vmem_shared>>
      %dma_start3A_65 = arith.constant 0 : i32
      %dma_start3A_66 = tpu.memref_slice %arg8[%add3A_12, %dma_start3A_65] : memref<10240x128xf32, #tpu.memory_space<vmem_shared>> -> memref<80x128xf32, #tpu.memory_space<vmem_shared>>
      tpu.enqueue_dma source(%arg6 : memref<80x128xf32, #tpu.memory_space<vmem>>) target(%dma_start3A_66 : memref<80x128xf32, #tpu.memory_space<vmem_shared>>) target_semaphore(%run_scoped3A_62 : memref<!tpu.dma_semaphore, #tpu.memory_space<semaphore_mem>>)
      %dma_wait3A_67 = arith.constant 0 : i32
      %dma_wait3A_68 = tpu.memref_slice %arg8[%add3A_12, %dma_wait3A_67] : memref<10240x128xf32, #tpu.memory_space<vmem_shared>> -> memref<80x128xf32, #tpu.memory_space<vmem_shared>>
      %dma_wait3A_69 = arith.constant 0 : i32
      %dma_wait3A_70 = tpu.memref_slice %arg8[%add3A_12, %dma_wait3A_69] : memref<10240x128xf32, #tpu.memory_space<vmem_shared>> -> memref<80x128xf32, #tpu.memory_space<vmem_shared>>
      tpu.wait_dma2 semaphore(%run_scoped3A_62 : memref<!tpu.dma_semaphore, #tpu.memory_space<semaphore_mem>>) src(%arg6 : memref<80x128xf32, #tpu.memory_space<vmem>>) dst(%dma_wait3A_70 : memref<80x128xf32, #tpu.memory_space<vmem_shared>>)
      tpu.yield
    }) : () -> ()
    %mul3A_13 = arith.constant 640 : i32
    %mul3A_14 = arith.muli %arg1, %mul3A_13 : i32
    %add3A_15 = arith.constant 80 : i32
    %add3A_16 = arith.addi %mul3A_14, %add3A_15 : i32
    "tpu.region"() ({
      %run_scoped3A_62 = tpu.sem_alloc : memref<!tpu.dma_semaphore, #tpu.memory_space<semaphore_mem>>
      %dma_start3A_63 = arith.constant 0 : i32
      %dma_start3A_64 = tpu.memref_slice %arg8[%add3A_16, %dma_start3A_63] : memref<10240x128xf32, #tpu.memory_space<vmem_shared>> -> memref<80x128xf32, #tpu.memory_space<vmem_shared>>
      %dma_start3A_65 = arith.constant 0 : i32
      %dma_start3A_66 = tpu.memref_slice %arg8[%add3A_16, %dma_start3A_65] : memref<10240x128xf32, #tpu.memory_space<vmem_shared>> -> memref<80x128xf32, #tpu.memory_space<vmem_shared>>
      tpu.enqueue_dma source(%arg6 : memref<80x128xf32, #tpu.memory_space<vmem>>) target(%dma_start3A_66 : memref<80x128xf32, #tpu.memory_space<vmem_shared>>) target_semaphore(%run_scoped3A_62 : memref<!tpu.dma_semaphore, #tpu.memory_space<semaphore_mem>>)
      %dma_wait3A_67 = arith.constant 0 : i32
      %dma_wait3A_68 = tpu.memref_slice %arg8[%add3A_16, %dma_wait3A_67] : memref<10240x128xf32, #tpu.memory_space<vmem_shared>> -> memref<80x128xf32, #tpu.memory_space<vmem_shared>>
      %dma_wait3A_69 = arith.constant 0 : i32
      %dma_wait3A_70 = tpu.memref_slice %arg8[%add3A_16, %dma_wait3A_69] : memref<10240x128xf32, #tpu.memory_space<vmem_shared>> -> memref<80x128xf32, #tpu.memory_space<vmem_shared>>
      tpu.wait_dma2 semaphore(%run_scoped3A_62 : memref<!tpu.dma_semaphore, #tpu.memory_space<semaphore_mem>>) src(%arg6 : memref<80x128xf32, #tpu.memory_space<vmem>>) dst(%dma_wait3A_70 : memref<80x128xf32, #tpu.memory_space<vmem_shared>>)
      tpu.yield
    }) : () -> ()
    %mul3A_17 = arith.constant 640 : i32
    %mul3A_18 = arith.muli %arg1, %mul3A_17 : i32
    %add3A_19 = arith.constant 160 : i32
    %add3A_20 = arith.addi %mul3A_18, %add3A_19 : i32
    "tpu.region"() ({
      %run_scoped3A_62 = tpu.sem_alloc : memref<!tpu.dma_semaphore, #tpu.memory_space<semaphore_mem>>
      %dma_start3A_63 = arith.constant 0 : i32
      %dma_start3A_64 = tpu.memref_slice %arg8[%add3A_20, %dma_start3A_63] : memref<10240x128xf32, #tpu.memory_space<vmem_shared>> -> memref<80x128xf32, #tpu.memory_space<vmem_shared>>
      %dma_start3A_65 = arith.constant 0 : i32
      %dma_start3A_66 = tpu.memref_slice %arg8[%add3A_20, %dma_start3A_65] : memref<10240x128xf32, #tpu.memory_space<vmem_shared>> -> memref<80x128xf32, #tpu.memory_space<vmem_shared>>
      tpu.enqueue_dma source(%arg6 : memref<80x128xf32, #tpu.memory_space<vmem>>) target(%dma_start3A_66 : memref<80x128xf32, #tpu.memory_space<vmem_shared>>) target_semaphore(%run_scoped3A_62 : memref<!tpu.dma_semaphore, #tpu.memory_space<semaphore_mem>>)
      %dma_wait3A_67 = arith.constant 0 : i32
      %dma_wait3A_68 = tpu.memref_slice %arg8[%add3A_20, %dma_wait3A_67] : memref<10240x128xf32, #tpu.memory_space<vmem_shared>> -> memref<80x128xf32, #tpu.memory_space<vmem_shared>>
      %dma_wait3A_69 = arith.constant 0 : i32
      %dma_wait3A_70 = tpu.memref_slice %arg8[%add3A_20, %dma_wait3A_69] : memref<10240x128xf32, #tpu.memory_space<vmem_shared>> -> memref<80x128xf32, #tpu.memory_space<vmem_shared>>
      tpu.wait_dma2 semaphore(%run_scoped3A_62 : memref<!tpu.dma_semaphore, #tpu.memory_space<semaphore_mem>>) src(%arg6 : memref<80x128xf32, #tpu.memory_space<vmem>>) dst(%dma_wait3A_70 : memref<80x128xf32, #tpu.memory_space<vmem_shared>>)
      tpu.yield
    }) : () -> ()
    %mul3A_21 = arith.constant 640 : i32
    %mul3A_22 = arith.muli %arg1, %mul3A_21 : i32
    %add3A_23 = arith.constant 240 : i32
    %add3A_24 = arith.addi %mul3A_22, %add3A_23 : i32
    "tpu.region"() ({
      %run_scoped3A_62 = tpu.sem_alloc : memref<!tpu.dma_semaphore, #tpu.memory_space<semaphore_mem>>
      %dma_start3A_63 = arith.constant 0 : i32
      %dma_start3A_64 = tpu.memref_slice %arg8[%add3A_24, %dma_start3A_63] : memref<10240x128xf32, #tpu.memory_space<vmem_shared>> -> memref<80x128xf32, #tpu.memory_space<vmem_shared>>
      %dma_start3A_65 = arith.constant 0 : i32
      %dma_start3A_66 = tpu.memref_slice %arg8[%add3A_24, %dma_start3A_65] : memref<10240x128xf32, #tpu.memory_space<vmem_shared>> -> memref<80x128xf32, #tpu.memory_space<vmem_shared>>
      tpu.enqueue_dma source(%arg6 : memref<80x128xf32, #tpu.memory_space<vmem>>) target(%dma_start3A_66 : memref<80x128xf32, #tpu.memory_space<vmem_shared>>) target_semaphore(%run_scoped3A_62 : memref<!tpu.dma_semaphore, #tpu.memory_space<semaphore_mem>>)
      %dma_wait3A_67 = arith.constant 0 : i32
      %dma_wait3A_68 = tpu.memref_slice %arg8[%add3A_24, %dma_wait3A_67] : memref<10240x128xf32, #tpu.memory_space<vmem_shared>> -> memref<80x128xf32, #tpu.memory_space<vmem_shared>>
      %dma_wait3A_69 = arith.constant 0 : i32
      %dma_wait3A_70 = tpu.memref_slice %arg8[%add3A_24, %dma_wait3A_69] : memref<10240x128xf32, #tpu.memory_space<vmem_shared>> -> memref<80x128xf32, #tpu.memory_space<vmem_shared>>
      tpu.wait_dma2 semaphore(%run_scoped3A_62 : memref<!tpu.dma_semaphore, #tpu.memory_space<semaphore_mem>>) src(%arg6 : memref<80x128xf32, #tpu.memory_space<vmem>>) dst(%dma_wait3A_70 : memref<80x128xf32, #tpu.memory_space<vmem_shared>>)
      tpu.yield
    }) : () -> ()
    %mul3A_25 = arith.constant 640 : i32
    %mul3A_26 = arith.muli %arg1, %mul3A_25 : i32
    %add3A_27 = arith.constant 320 : i32
    %add3A_28 = arith.addi %mul3A_26, %add3A_27 : i32
    "tpu.region"() ({
      %run_scoped3A_62 = tpu.sem_alloc : memref<!tpu.dma_semaphore, #tpu.memory_space<semaphore_mem>>
      %dma_start3A_63 = arith.constant 0 : i32
      %dma_start3A_64 = tpu.memref_slice %arg8[%add3A_28, %dma_start3A_63] : memref<10240x128xf32, #tpu.memory_space<vmem_shared>> -> memref<80x128xf32, #tpu.memory_space<vmem_shared>>
      %dma_start3A_65 = arith.constant 0 : i32
      %dma_start3A_66 = tpu.memref_slice %arg8[%add3A_28, %dma_start3A_65] : memref<10240x128xf32, #tpu.memory_space<vmem_shared>> -> memref<80x128xf32, #tpu.memory_space<vmem_shared>>
      tpu.enqueue_dma source(%arg6 : memref<80x128xf32, #tpu.memory_space<vmem>>) target(%dma_start3A_66 : memref<80x128xf32, #tpu.memory_space<vmem_shared>>) target_semaphore(%run_scoped3A_62 : memref<!tpu.dma_semaphore, #tpu.memory_space<semaphore_mem>>)
      %dma_wait3A_67 = arith.constant 0 : i32
      %dma_wait3A_68 = tpu.memref_slice %arg8[%add3A_28, %dma_wait3A_67] : memref<10240x128xf32, #tpu.memory_space<vmem_shared>> -> memref<80x128xf32, #tpu.memory_space<vmem_shared>>
      %dma_wait3A_69 = arith.constant 0 : i32
      %dma_wait3A_70 = tpu.memref_slice %arg8[%add3A_28, %dma_wait3A_69] : memref<10240x128xf32, #tpu.memory_space<vmem_shared>> -> memref<80x128xf32, #tpu.memory_space<vmem_shared>>
      tpu.wait_dma2 semaphore(%run_scoped3A_62 : memref<!tpu.dma_semaphore, #tpu.memory_space<semaphore_mem>>) src(%arg6 : memref<80x128xf32, #tpu.memory_space<vmem>>) dst(%dma_wait3A_70 : memref<80x128xf32, #tpu.memory_space<vmem_shared>>)
      tpu.yield
    }) : () -> ()
    %mul3A_29 = arith.constant 640 : i32
    %mul3A_30 = arith.muli %arg1, %mul3A_29 : i32
    %add3A_31 = arith.constant 400 : i32
    %add3A_32 = arith.addi %mul3A_30, %add3A_31 : i32
    "tpu.region"() ({
      %run_scoped3A_62 = tpu.sem_alloc : memref<!tpu.dma_semaphore, #tpu.memory_space<semaphore_mem>>
      %dma_start3A_63 = arith.constant 0 : i32
      %dma_start3A_64 = tpu.memref_slice %arg8[%add3A_32, %dma_start3A_63] : memref<10240x128xf32, #tpu.memory_space<vmem_shared>> -> memref<80x128xf32, #tpu.memory_space<vmem_shared>>
      %dma_start3A_65 = arith.constant 0 : i32
      %dma_start3A_66 = tpu.memref_slice %arg8[%add3A_32, %dma_start3A_65] : memref<10240x128xf32, #tpu.memory_space<vmem_shared>> -> memref<80x128xf32, #tpu.memory_space<vmem_shared>>
      tpu.enqueue_dma source(%arg6 : memref<80x128xf32, #tpu.memory_space<vmem>>) target(%dma_start3A_66 : memref<80x128xf32, #tpu.memory_space<vmem_shared>>) target_semaphore(%run_scoped3A_62 : memref<!tpu.dma_semaphore, #tpu.memory_space<semaphore_mem>>)
      %dma_wait3A_67 = arith.constant 0 : i32
      %dma_wait3A_68 = tpu.memref_slice %arg8[%add3A_32, %dma_wait3A_67] : memref<10240x128xf32, #tpu.memory_space<vmem_shared>> -> memref<80x128xf32, #tpu.memory_space<vmem_shared>>
      %dma_wait3A_69 = arith.constant 0 : i32
      %dma_wait3A_70 = tpu.memref_slice %arg8[%add3A_32, %dma_wait3A_69] : memref<10240x128xf32, #tpu.memory_space<vmem_shared>> -> memref<80x128xf32, #tpu.memory_space<vmem_shared>>
      tpu.wait_dma2 semaphore(%run_scoped3A_62 : memref<!tpu.dma_semaphore, #tpu.memory_space<semaphore_mem>>) src(%arg6 : memref<80x128xf32, #tpu.memory_space<vmem>>) dst(%dma_wait3A_70 : memref<80x128xf32, #tpu.memory_space<vmem_shared>>)
      tpu.yield
    }) : () -> ()
    %mul3A_33 = arith.constant 640 : i32
    %mul3A_34 = arith.muli %arg1, %mul3A_33 : i32
    %add3A_35 = arith.constant 480 : i32
    %add3A_36 = arith.addi %mul3A_34, %add3A_35 : i32
    "tpu.region"() ({
      %run_scoped3A_62 = tpu.sem_alloc : memref<!tpu.dma_semaphore, #tpu.memory_space<semaphore_mem>>
      %dma_start3A_63 = arith.constant 0 : i32
      %dma_start3A_64 = tpu.memref_slice %arg8[%add3A_36, %dma_start3A_63] : memref<10240x128xf32, #tpu.memory_space<vmem_shared>> -> memref<80x128xf32, #tpu.memory_space<vmem_shared>>
      %dma_start3A_65 = arith.constant 0 : i32
      %dma_start3A_66 = tpu.memref_slice %arg8[%add3A_36, %dma_start3A_65] : memref<10240x128xf32, #tpu.memory_space<vmem_shared>> -> memref<80x128xf32, #tpu.memory_space<vmem_shared>>
      tpu.enqueue_dma source(%arg6 : memref<80x128xf32, #tpu.memory_space<vmem>>) target(%dma_start3A_66 : memref<80x128xf32, #tpu.memory_space<vmem_shared>>) target_semaphore(%run_scoped3A_62 : memref<!tpu.dma_semaphore, #tpu.memory_space<semaphore_mem>>)
      %dma_wait3A_67 = arith.constant 0 : i32
      %dma_wait3A_68 = tpu.memref_slice %arg8[%add3A_36, %dma_wait3A_67] : memref<10240x128xf32, #tpu.memory_space<vmem_shared>> -> memref<80x128xf32, #tpu.memory_space<vmem_shared>>
      %dma_wait3A_69 = arith.constant 0 : i32
      %dma_wait3A_70 = tpu.memref_slice %arg8[%add3A_36, %dma_wait3A_69] : memref<10240x128xf32, #tpu.memory_space<vmem_shared>> -> memref<80x128xf32, #tpu.memory_space<vmem_shared>>
      tpu.wait_dma2 semaphore(%run_scoped3A_62 : memref<!tpu.dma_semaphore, #tpu.memory_space<semaphore_mem>>) src(%arg6 : memref<80x128xf32, #tpu.memory_space<vmem>>) dst(%dma_wait3A_70 : memref<80x128xf32, #tpu.memory_space<vmem_shared>>)
      tpu.yield
    }) : () -> ()
    %mul3A_37 = arith.constant 640 : i32
    %mul3A_38 = arith.muli %arg1, %mul3A_37 : i32
    %add3A_39 = arith.constant 560 : i32
    %add3A_40 = arith.addi %mul3A_38, %add3A_39 : i32
    "tpu.region"() ({
      %run_scoped3A_62 = tpu.sem_alloc : memref<!tpu.dma_semaphore, #tpu.memory_space<semaphore_mem>>
      %dma_start3A_63 = arith.constant 0 : i32
      %dma_start3A_64 = tpu.memref_slice %arg8[%add3A_40, %dma_start3A_63] : memref<10240x128xf32, #tpu.memory_space<vmem_shared>> -> memref<80x128xf32, #tpu.memory_space<vmem_shared>>
      %dma_start3A_65 = arith.constant 0 : i32
      %dma_start3A_66 = tpu.memref_slice %arg8[%add3A_40, %dma_start3A_65] : memref<10240x128xf32, #tpu.memory_space<vmem_shared>> -> memref<80x128xf32, #tpu.memory_space<vmem_shared>>
      tpu.enqueue_dma source(%arg6 : memref<80x128xf32, #tpu.memory_space<vmem>>) target(%dma_start3A_66 : memref<80x128xf32, #tpu.memory_space<vmem_shared>>) target_semaphore(%run_scoped3A_62 : memref<!tpu.dma_semaphore, #tpu.memory_space<semaphore_mem>>)
      %dma_wait3A_67 = arith.constant 0 : i32
      %dma_wait3A_68 = tpu.memref_slice %arg8[%add3A_40, %dma_wait3A_67] : memref<10240x128xf32, #tpu.memory_space<vmem_shared>> -> memref<80x128xf32, #tpu.memory_space<vmem_shared>>
      %dma_wait3A_69 = arith.constant 0 : i32
      %dma_wait3A_70 = tpu.memref_slice %arg8[%add3A_40, %dma_wait3A_69] : memref<10240x128xf32, #tpu.memory_space<vmem_shared>> -> memref<80x128xf32, #tpu.memory_space<vmem_shared>>
      tpu.wait_dma2 semaphore(%run_scoped3A_62 : memref<!tpu.dma_semaphore, #tpu.memory_space<semaphore_mem>>) src(%arg6 : memref<80x128xf32, #tpu.memory_space<vmem>>) dst(%dma_wait3A_70 : memref<80x128xf32, #tpu.memory_space<vmem_shared>>)
      tpu.yield
    }) : () -> ()
    %barrier3A = arith.constant 0 : index
    tpu.barrier barrier_id(%barrier3A)
    %add3A_41 = arith.constant 0 : i32
    %add3A_42 = arith.addi %mul3A_2, %add3A_41 : i32
    %dma_start3A = arith.constant 0 : i32
    %dma_start3A_43 = tpu.memref_slice %arg3[%add3A_42, %dma_start3A] : memref<320000x128xf32, #tpu.memory_space<hbm>> -> memref<80x128xf32, #tpu.memory_space<hbm>>
    %dma_start3A_44 = arith.constant 0 : i32
    %dma_start3A_45 = tpu.memref_slice %arg3[%add3A_42, %dma_start3A_44] : memref<320000x128xf32, #tpu.memory_space<hbm>> -> memref<80x128xf32, #tpu.memory_space<hbm>>
    tpu.enqueue_dma source(%dma_start3A_45 : memref<80x128xf32, #tpu.memory_space<hbm>>) target(%arg6 : memref<80x128xf32, #tpu.memory_space<vmem>>) target_semaphore(%arg9 : memref<!tpu.dma_semaphore, #tpu.memory_space<semaphore_mem>>)
    %scan3A_46 = arith.constant 0 : i32
    %scan3A_47 = arith.constant 0 : i32
    %scan3A_48 = arith.constant 62 : i32
    %scan3A_49 = arith.addi %scan3A_47, %scan3A_48 : i32
    %scan3A_50 = arith.constant 1 : i32
    scf.for %scan3A_62 = %scan3A_47 to %scan3A_49 step %scan3A_50  : i32 {
      %mul3A_63 = arith.constant 2 : i32
      %mul3A_64 = arith.muli %mul3A_63, %scan3A_62 : i32
      %add3A_65 = arith.constant 1 : i32
      %add3A_66 = arith.addi %mul3A_64, %add3A_65 : i32
      %add3A_67 = arith.constant 2 : i32
      %add3A_68 = arith.addi %mul3A_64, %add3A_67 : i32
      %mul3A_69 = arith.constant 80 : i32
      %mul3A_70 = arith.muli %mul3A_64, %mul3A_69 : i32
      %add3A_71 = arith.addi %mul3A_2, %mul3A_70 : i32
      %dma_wait3A_72 = arith.constant 0 : i32
      %dma_wait3A_73 = tpu.memref_slice %arg3[%add3A_71, %dma_wait3A_72] : memref<320000x128xf32, #tpu.memory_space<hbm>> -> memref<80x128xf32, #tpu.memory_space<hbm>>
      %dma_wait3A_74 = arith.constant 0 : i32
      %dma_wait3A_75 = tpu.memref_slice %arg3[%add3A_71, %dma_wait3A_74] : memref<320000x128xf32, #tpu.memory_space<hbm>> -> memref<80x128xf32, #tpu.memory_space<hbm>>
      tpu.wait_dma2 semaphore(%arg9 : memref<!tpu.dma_semaphore, #tpu.memory_space<semaphore_mem>>) src(%dma_wait3A_75 : memref<80x128xf32, #tpu.memory_space<hbm>>) dst(%arg6 : memref<80x128xf32, #tpu.memory_space<vmem>>)
      %mul3A_76 = arith.constant 80 : i32
      %mul3A_77 = arith.muli %add3A_66, %mul3A_76 : i32
      %add3A_78 = arith.addi %mul3A_2, %mul3A_77 : i32
      %dma_start3A_79 = arith.constant 0 : i32
      %dma_start3A_80 = tpu.memref_slice %arg3[%add3A_78, %dma_start3A_79] : memref<320000x128xf32, #tpu.memory_space<hbm>> -> memref<80x128xf32, #tpu.memory_space<hbm>>
      %dma_start3A_81 = arith.constant 0 : i32
      %dma_start3A_82 = tpu.memref_slice %arg3[%add3A_78, %dma_start3A_81] : memref<320000x128xf32, #tpu.memory_space<hbm>> -> memref<80x128xf32, #tpu.memory_space<hbm>>
      tpu.enqueue_dma source(%dma_start3A_82 : memref<80x128xf32, #tpu.memory_space<hbm>>) target(%arg7 : memref<80x128xf32, #tpu.memory_space<vmem>>) target_semaphore(%arg10 : memref<!tpu.dma_semaphore, #tpu.memory_space<semaphore_mem>>)
      "tpu.region"() ({
        %run_scoped3A_97 = tpu.sem_alloc : memref<!tpu.dma_semaphore, #tpu.memory_space<semaphore_mem>>
        %dma_start3A_98 = arith.constant 0 : i32
        %dma_start3A_99 = tpu.memref_slice %arg5[%mul3A_64, %dma_start3A_98] : memref<125x80xi32, #tpu.memory_space<vmem>> -> memref<1x80xi32, #tpu.memory_space<vmem>>
        %dma_start3A_100 = tpu.memref_squeeze %dma_start3A_99 : memref<1x80xi32, #tpu.memory_space<vmem>> -> memref<80xi32, #tpu.memory_space<vmem>>
        %dma_start3A_101 = arith.constant 0 : i32
        %dma_start3A_102 = arith.constant 0 : i32
        %dma_start3A_103 = tpu.memref_slice %arg8[%dma_start3A_101, %dma_start3A_102] : memref<10240x128xf32, #tpu.memory_space<vmem_shared>> -> memref<10240x128xf32, #tpu.memory_space<vmem_shared>>
        tpu.enqueue_indirect_dma source(%arg6 : memref<80x128xf32, #tpu.memory_space<vmem>>) target(%dma_start3A_103 : memref<10240x128xf32, #tpu.memory_space<vmem_shared>>) offsets(%dma_start3A_100 : memref<80xi32, #tpu.memory_space<vmem>>) semaphore(%run_scoped3A_97 : memref<!tpu.dma_semaphore, #tpu.memory_space<semaphore_mem>>) {add = true}
        %dma_wait3A_104 = arith.constant 0 : i32
        %dma_wait3A_105 = tpu.memref_slice %arg5[%mul3A_64, %dma_wait3A_104] : memref<125x80xi32, #tpu.memory_space<vmem>> -> memref<1x80xi32, #tpu.memory_space<vmem>>
        %dma_wait3A_106 = tpu.memref_squeeze %dma_wait3A_105 : memref<1x80xi32, #tpu.memory_space<vmem>> -> memref<80xi32, #tpu.memory_space<vmem>>
        %dma_wait3A_107 = arith.constant 0 : i32
        %dma_wait3A_108 = arith.constant 0 : i32
        %dma_wait3A_109 = tpu.memref_slice %arg8[%dma_wait3A_107, %dma_wait3A_108] : memref<10240x128xf32, #tpu.memory_space<vmem_shared>> -> memref<10240x128xf32, #tpu.memory_space<vmem_shared>>
        tpu.wait_indirect_dma semaphore(%run_scoped3A_97 : memref<!tpu.dma_semaphore, #tpu.memory_space<semaphore_mem>>) src(%arg6 : memref<80x128xf32, #tpu.memory_space<vmem>>) dst(%dma_wait3A_109 : memref<10240x128xf32, #tpu.memory_space<vmem_shared>>)
        tpu.yield
      }) : () -> ()
      %mul3A_83 = arith.constant 80 : i32
      %mul3A_84 = arith.muli %add3A_68, %mul3A_83 : i32
      %add3A_85 = arith.addi %mul3A_2, %mul3A_84 : i32
      %dma_start3A_86 = arith.constant 0 : i32
      %dma_start3A_87 = tpu.memref_slice %arg3[%add3A_85, %dma_start3A_86] : memref<320000x128xf32, #tpu.memory_space<hbm>> -> memref<80x128xf32, #tpu.memory_space<hbm>>
      %dma_start3A_88 = arith.constant 0 : i32
      %dma_start3A_89 = tpu.memref_slice %arg3[%add3A_85, %dma_start3A_88] : memref<320000x128xf32, #tpu.memory_space<hbm>> -> memref<80x128xf32, #tpu.memory_space<hbm>>
      tpu.enqueue_dma source(%dma_start3A_89 : memref<80x128xf32, #tpu.memory_space<hbm>>) target(%arg6 : memref<80x128xf32, #tpu.memory_space<vmem>>) target_semaphore(%arg9 : memref<!tpu.dma_semaphore, #tpu.memory_space<semaphore_mem>>)
      %mul3A_90 = arith.constant 80 : i32
      %mul3A_91 = arith.muli %add3A_66, %mul3A_90 : i32
      %add3A_92 = arith.addi %mul3A_2, %mul3A_91 : i32
      %dma_wait3A_93 = arith.constant 0 : i32
      %dma_wait3A_94 = tpu.memref_slice %arg3[%add3A_92, %dma_wait3A_93] : memref<320000x128xf32, #tpu.memory_space<hbm>> -> memref<80x128xf32, #tpu.memory_space<hbm>>
      %dma_wait3A_95 = arith.constant 0 : i32
      %dma_wait3A_96 = tpu.memref_slice %arg3[%add3A_92, %dma_wait3A_95] : memref<320000x128xf32, #tpu.memory_space<hbm>> -> memref<80x128xf32, #tpu.memory_space<hbm>>
      tpu.wait_dma2 semaphore(%arg10 : memref<!tpu.dma_semaphore, #tpu.memory_space<semaphore_mem>>) src(%dma_wait3A_96 : memref<80x128xf32, #tpu.memory_space<hbm>>) dst(%arg7 : memref<80x128xf32, #tpu.memory_space<vmem>>)
      "tpu.region"() ({
        %run_scoped3A_97 = tpu.sem_alloc : memref<!tpu.dma_semaphore, #tpu.memory_space<semaphore_mem>>
        %dma_start3A_98 = arith.constant 0 : i32
        %dma_start3A_99 = tpu.memref_slice %arg5[%add3A_66, %dma_start3A_98] : memref<125x80xi32, #tpu.memory_space<vmem>> -> memref<1x80xi32, #tpu.memory_space<vmem>>
        %dma_start3A_100 = tpu.memref_squeeze %dma_start3A_99 : memref<1x80xi32, #tpu.memory_space<vmem>> -> memref<80xi32, #tpu.memory_space<vmem>>
        %dma_start3A_101 = arith.constant 0 : i32
        %dma_start3A_102 = arith.constant 0 : i32
        %dma_start3A_103 = tpu.memref_slice %arg8[%dma_start3A_101, %dma_start3A_102] : memref<10240x128xf32, #tpu.memory_space<vmem_shared>> -> memref<10240x128xf32, #tpu.memory_space<vmem_shared>>
        tpu.enqueue_indirect_dma source(%arg7 : memref<80x128xf32, #tpu.memory_space<vmem>>) target(%dma_start3A_103 : memref<10240x128xf32, #tpu.memory_space<vmem_shared>>) offsets(%dma_start3A_100 : memref<80xi32, #tpu.memory_space<vmem>>) semaphore(%run_scoped3A_97 : memref<!tpu.dma_semaphore, #tpu.memory_space<semaphore_mem>>) {add = true}
        %dma_wait3A_104 = arith.constant 0 : i32
        %dma_wait3A_105 = tpu.memref_slice %arg5[%add3A_66, %dma_wait3A_104] : memref<125x80xi32, #tpu.memory_space<vmem>> -> memref<1x80xi32, #tpu.memory_space<vmem>>
        %dma_wait3A_106 = tpu.memref_squeeze %dma_wait3A_105 : memref<1x80xi32, #tpu.memory_space<vmem>> -> memref<80xi32, #tpu.memory_space<vmem>>
        %dma_wait3A_107 = arith.constant 0 : i32
        %dma_wait3A_108 = arith.constant 0 : i32
        %dma_wait3A_109 = tpu.memref_slice %arg8[%dma_wait3A_107, %dma_wait3A_108] : memref<10240x128xf32, #tpu.memory_space<vmem_shared>> -> memref<10240x128xf32, #tpu.memory_space<vmem_shared>>
        tpu.wait_indirect_dma semaphore(%run_scoped3A_97 : memref<!tpu.dma_semaphore, #tpu.memory_space<semaphore_mem>>) src(%arg7 : memref<80x128xf32, #tpu.memory_space<vmem>>) dst(%dma_wait3A_109 : memref<10240x128xf32, #tpu.memory_space<vmem_shared>>)
        tpu.yield
      }) : () -> ()
    }
    %scan3A_51 = arith.constant 62 : i32
    %add3A_52 = arith.constant 9920 : i32
    %add3A_53 = arith.addi %mul3A_2, %add3A_52 : i32
    %dma_wait3A = arith.constant 0 : i32
    %dma_wait3A_54 = tpu.memref_slice %arg3[%add3A_53, %dma_wait3A] : memref<320000x128xf32, #tpu.memory_space<hbm>> -> memref<80x128xf32, #tpu.memory_space<hbm>>
    %dma_wait3A_55 = arith.constant 0 : i32
    %dma_wait3A_56 = tpu.memref_slice %arg3[%add3A_53, %dma_wait3A_55] : memref<320000x128xf32, #tpu.memory_space<hbm>> -> memref<80x128xf32, #tpu.memory_space<hbm>>
    tpu.wait_dma2 semaphore(%arg9 : memref<!tpu.dma_semaphore, #tpu.memory_space<semaphore_mem>>) src(%dma_wait3A_56 : memref<80x128xf32, #tpu.memory_space<hbm>>) dst(%arg6 : memref<80x128xf32, #tpu.memory_space<vmem>>)
    %run_scoped3A = arith.constant 124 : i32
    "tpu.region"() ({
      %run_scoped3A_62 = tpu.sem_alloc : memref<!tpu.dma_semaphore, #tpu.memory_space<semaphore_mem>>
      %dma_start3A_63 = arith.constant 0 : i32
      %dma_start3A_64 = tpu.memref_slice %arg5[%run_scoped3A, %dma_start3A_63] : memref<125x80xi32, #tpu.memory_space<vmem>> -> memref<1x80xi32, #tpu.memory_space<vmem>>
      %dma_start3A_65 = tpu.memref_squeeze %dma_start3A_64 : memref<1x80xi32, #tpu.memory_space<vmem>> -> memref<80xi32, #tpu.memory_space<vmem>>
      %dma_start3A_66 = arith.constant 0 : i32
      %dma_start3A_67 = arith.constant 0 : i32
      %dma_start3A_68 = tpu.memref_slice %arg8[%dma_start3A_66, %dma_start3A_67] : memref<10240x128xf32, #tpu.memory_space<vmem_shared>> -> memref<10240x128xf32, #tpu.memory_space<vmem_shared>>
      tpu.enqueue_indirect_dma source(%arg6 : memref<80x128xf32, #tpu.memory_space<vmem>>) target(%dma_start3A_68 : memref<10240x128xf32, #tpu.memory_space<vmem_shared>>) offsets(%dma_start3A_65 : memref<80xi32, #tpu.memory_space<vmem>>) semaphore(%run_scoped3A_62 : memref<!tpu.dma_semaphore, #tpu.memory_space<semaphore_mem>>) {add = true}
      %dma_wait3A_69 = arith.constant 0 : i32
      %dma_wait3A_70 = tpu.memref_slice %arg5[%run_scoped3A, %dma_wait3A_69] : memref<125x80xi32, #tpu.memory_space<vmem>> -> memref<1x80xi32, #tpu.memory_space<vmem>>
      %dma_wait3A_71 = tpu.memref_squeeze %dma_wait3A_70 : memref<1x80xi32, #tpu.memory_space<vmem>> -> memref<80xi32, #tpu.memory_space<vmem>>
      %dma_wait3A_72 = arith.constant 0 : i32
      %dma_wait3A_73 = arith.constant 0 : i32
      %dma_wait3A_74 = tpu.memref_slice %arg8[%dma_wait3A_72, %dma_wait3A_73] : memref<10240x128xf32, #tpu.memory_space<vmem_shared>> -> memref<10240x128xf32, #tpu.memory_space<vmem_shared>>
      tpu.wait_indirect_dma semaphore(%run_scoped3A_62 : memref<!tpu.dma_semaphore, #tpu.memory_space<semaphore_mem>>) src(%arg6 : memref<80x128xf32, #tpu.memory_space<vmem>>) dst(%dma_wait3A_74 : memref<10240x128xf32, #tpu.memory_space<vmem_shared>>)
      tpu.yield
    }) : () -> ()
    %barrier3A_57 = arith.constant 0 : index
    tpu.barrier barrier_id(%barrier3A_57)
    %mul3A_58 = arith.constant 640 : i32
    %mul3A_59 = arith.muli %arg1, %mul3A_58 : i32
    %mul3A_60 = arith.constant 640 : i32
    %mul3A_61 = arith.muli %arg1, %mul3A_60 : i32
    "tpu.region"() ({
      %run_scoped3A_62 = tpu.sem_alloc : memref<!tpu.dma_semaphore, #tpu.memory_space<semaphore_mem>>
      %dma_start3A_63 = arith.constant 0 : i32
      %dma_start3A_64 = tpu.memref_slice %arg4[%arg0, %mul3A_61, %dma_start3A_63] : memref<2x10240x128xf32, #tpu.memory_space<hbm>> -> memref<1x640x128xf32, #tpu.memory_space<hbm>>
      %dma_start3A_65 = tpu.memref_squeeze %dma_start3A_64 : memref<1x640x128xf32, #tpu.memory_space<hbm>> -> memref<640x128xf32, #tpu.memory_space<hbm>>
      %dma_start3A_66 = arith.constant 0 : i32
      %dma_start3A_67 = tpu.memref_slice %arg8[%mul3A_59, %dma_start3A_66] : memref<10240x128xf32, #tpu.memory_space<vmem_shared>> -> memref<640x128xf32, #tpu.memory_space<vmem_shared>>
      tpu.enqueue_dma source(%dma_start3A_67 : memref<640x128xf32, #tpu.memory_space<vmem_shared>>) target(%dma_start3A_65 : memref<640x128xf32, #tpu.memory_space<hbm>>) target_semaphore(%run_scoped3A_62 : memref<!tpu.dma_semaphore, #tpu.memory_space<semaphore_mem>>)
      %dma_wait3A_68 = arith.constant 0 : i32
      %dma_wait3A_69 = tpu.memref_slice %arg4[%arg0, %mul3A_61, %dma_wait3A_68] : memref<2x10240x128xf32, #tpu.memory_space<hbm>> -> memref<1x640x128xf32, #tpu.memory_space<hbm>>
      %dma_wait3A_70 = tpu.memref_squeeze %dma_wait3A_69 : memref<1x640x128xf32, #tpu.memory_space<hbm>> -> memref<640x128xf32, #tpu.memory_space<hbm>>
      %dma_wait3A_71 = arith.constant 0 : i32
      %dma_wait3A_72 = tpu.memref_slice %arg8[%mul3A_59, %dma_wait3A_71] : memref<10240x128xf32, #tpu.memory_space<vmem_shared>> -> memref<640x128xf32, #tpu.memory_space<vmem_shared>>
      tpu.wait_dma2 semaphore(%run_scoped3A_62 : memref<!tpu.dma_semaphore, #tpu.memory_space<semaphore_mem>>) src(%dma_wait3A_72 : memref<640x128xf32, #tpu.memory_space<vmem_shared>>) dst(%dma_wait3A_70 : memref<640x128xf32, #tpu.memory_space<hbm>>)
      tpu.yield
    }) : () -> ()
    return
  }
}

#map = affine_map<(d0, d1) -> (0, 0, 0)>
#map1 = affine_map<(d0, d1) -> (0, 0)>
module attributes {stable_mosaic.version = 14 : i64} {
  func.func @_gather_kernel(%arg0: i32, %arg1: i32, %arg2: memref<32x125x80xi32, #tpu.memory_space<hbm>>, %arg3: memref<32x125x80xi32, #tpu.memory_space<hbm>>, %arg4: memref<10000x128xf32, #tpu.memory_space<hbm>>, %arg5: memref<10000x128xf32, #tpu.memory_space<hbm>>, %arg6: memref<320000x128xf32, #tpu.memory_space<hbm>>, %arg7: memref<320000x128xf32, #tpu.memory_space<hbm>>, %arg8: memref<125x80xi32, #tpu.memory_space<vmem>>, %arg9: memref<125x80xi32, #tpu.memory_space<vmem>>, %arg10: memref<80x128xf32, #tpu.memory_space<vmem>>, %arg11: memref<80x128xf32, #tpu.memory_space<vmem>>, %arg12: memref<80x128xf32, #tpu.memory_space<vmem>>, %arg13: memref<80x128xf32, #tpu.memory_space<vmem>>, %arg14: memref<!tpu.dma_semaphore, #tpu.memory_space<semaphore_mem>>, %arg15: memref<!tpu.dma_semaphore, #tpu.memory_space<semaphore_mem>>, %arg16: memref<!tpu.dma_semaphore, #tpu.memory_space<semaphore_mem>>, %arg17: memref<!tpu.dma_semaphore, #tpu.memory_space<semaphore_mem>>) attributes {dimension_semantics = [#tpu.dimension_semantics<core_parallel>, #tpu.dimension_semantics<subcore_parallel>], iteration_bounds = array<i64: 2, 16>, scalar_prefetch = 0 : i64, scratch_operands = 10 : i64, tpu.core_type = #tpu.core_type<sc_vector_subcore>, window_params = [{transform_indices = #map}, {transform_indices = #map}, {transform_indices = #map1}, {transform_indices = #map1}, {transform_indices = #map1}, {transform_indices = #map1}]} {
    %mul3A = arith.constant 2 : i32
    %mul3A_0 = arith.muli %arg1, %mul3A : i32
    %add3A = arith.addi %mul3A_0, %arg0 : i32
    %mul3A_1 = arith.constant 10000 : i32
    %mul3A_2 = arith.muli %add3A, %mul3A_1 : i32
    "tpu.region"() ({
      %run_scoped3A = tpu.sem_alloc : memref<!tpu.dma_semaphore, #tpu.memory_space<semaphore_mem>>
      %dma_start3A_58 = arith.constant 0 : i32
      %dma_start3A_59 = arith.constant 0 : i32
      %dma_start3A_60 = tpu.memref_slice %arg2[%add3A, %dma_start3A_58, %dma_start3A_59] : memref<32x125x80xi32, #tpu.memory_space<hbm>> -> memref<1x125x80xi32, #tpu.memory_space<hbm>>
      %dma_start3A_61 = tpu.memref_squeeze %dma_start3A_60 : memref<1x125x80xi32, #tpu.memory_space<hbm>> -> memref<125x80xi32, #tpu.memory_space<hbm>>
      %dma_start3A_62 = arith.constant 0 : i32
      %dma_start3A_63 = arith.constant 0 : i32
      %dma_start3A_64 = tpu.memref_slice %arg2[%add3A, %dma_start3A_62, %dma_start3A_63] : memref<32x125x80xi32, #tpu.memory_space<hbm>> -> memref<1x125x80xi32, #tpu.memory_space<hbm>>
      %dma_start3A_65 = tpu.memref_squeeze %dma_start3A_64 : memref<1x125x80xi32, #tpu.memory_space<hbm>> -> memref<125x80xi32, #tpu.memory_space<hbm>>
      tpu.enqueue_dma source(%dma_start3A_65 : memref<125x80xi32, #tpu.memory_space<hbm>>) target(%arg8 : memref<125x80xi32, #tpu.memory_space<vmem>>) target_semaphore(%run_scoped3A : memref<!tpu.dma_semaphore, #tpu.memory_space<semaphore_mem>>)
      %dma_wait3A_66 = arith.constant 0 : i32
      %dma_wait3A_67 = arith.constant 0 : i32
      %dma_wait3A_68 = tpu.memref_slice %arg2[%add3A, %dma_wait3A_66, %dma_wait3A_67] : memref<32x125x80xi32, #tpu.memory_space<hbm>> -> memref<1x125x80xi32, #tpu.memory_space<hbm>>
      %dma_wait3A_69 = tpu.memref_squeeze %dma_wait3A_68 : memref<1x125x80xi32, #tpu.memory_space<hbm>> -> memref<125x80xi32, #tpu.memory_space<hbm>>
      %dma_wait3A_70 = arith.constant 0 : i32
      %dma_wait3A_71 = arith.constant 0 : i32
      %dma_wait3A_72 = tpu.memref_slice %arg2[%add3A, %dma_wait3A_70, %dma_wait3A_71] : memref<32x125x80xi32, #tpu.memory_space<hbm>> -> memref<1x125x80xi32, #tpu.memory_space<hbm>>
      %dma_wait3A_73 = tpu.memref_squeeze %dma_wait3A_72 : memref<1x125x80xi32, #tpu.memory_space<hbm>> -> memref<125x80xi32, #tpu.memory_space<hbm>>
      tpu.wait_dma2 semaphore(%run_scoped3A : memref<!tpu.dma_semaphore, #tpu.memory_space<semaphore_mem>>) src(%dma_wait3A_73 : memref<125x80xi32, #tpu.memory_space<hbm>>) dst(%arg8 : memref<125x80xi32, #tpu.memory_space<vmem>>)
      tpu.yield
    }) : () -> ()
    "tpu.region"() ({
      %run_scoped3A = tpu.sem_alloc : memref<!tpu.dma_semaphore, #tpu.memory_space<semaphore_mem>>
      %dma_start3A_58 = arith.constant 0 : i32
      %dma_start3A_59 = arith.constant 0 : i32
      %dma_start3A_60 = tpu.memref_slice %arg3[%add3A, %dma_start3A_58, %dma_start3A_59] : memref<32x125x80xi32, #tpu.memory_space<hbm>> -> memref<1x125x80xi32, #tpu.memory_space<hbm>>
      %dma_start3A_61 = tpu.memref_squeeze %dma_start3A_60 : memref<1x125x80xi32, #tpu.memory_space<hbm>> -> memref<125x80xi32, #tpu.memory_space<hbm>>
      %dma_start3A_62 = arith.constant 0 : i32
      %dma_start3A_63 = arith.constant 0 : i32
      %dma_start3A_64 = tpu.memref_slice %arg3[%add3A, %dma_start3A_62, %dma_start3A_63] : memref<32x125x80xi32, #tpu.memory_space<hbm>> -> memref<1x125x80xi32, #tpu.memory_space<hbm>>
      %dma_start3A_65 = tpu.memref_squeeze %dma_start3A_64 : memref<1x125x80xi32, #tpu.memory_space<hbm>> -> memref<125x80xi32, #tpu.memory_space<hbm>>
      tpu.enqueue_dma source(%dma_start3A_65 : memref<125x80xi32, #tpu.memory_space<hbm>>) target(%arg9 : memref<125x80xi32, #tpu.memory_space<vmem>>) target_semaphore(%run_scoped3A : memref<!tpu.dma_semaphore, #tpu.memory_space<semaphore_mem>>)
      %dma_wait3A_66 = arith.constant 0 : i32
      %dma_wait3A_67 = arith.constant 0 : i32
      %dma_wait3A_68 = tpu.memref_slice %arg3[%add3A, %dma_wait3A_66, %dma_wait3A_67] : memref<32x125x80xi32, #tpu.memory_space<hbm>> -> memref<1x125x80xi32, #tpu.memory_space<hbm>>
      %dma_wait3A_69 = tpu.memref_squeeze %dma_wait3A_68 : memref<1x125x80xi32, #tpu.memory_space<hbm>> -> memref<125x80xi32, #tpu.memory_space<hbm>>
      %dma_wait3A_70 = arith.constant 0 : i32
      %dma_wait3A_71 = arith.constant 0 : i32
      %dma_wait3A_72 = tpu.memref_slice %arg3[%add3A, %dma_wait3A_70, %dma_wait3A_71] : memref<32x125x80xi32, #tpu.memory_space<hbm>> -> memref<1x125x80xi32, #tpu.memory_space<hbm>>
      %dma_wait3A_73 = tpu.memref_squeeze %dma_wait3A_72 : memref<1x125x80xi32, #tpu.memory_space<hbm>> -> memref<125x80xi32, #tpu.memory_space<hbm>>
      tpu.wait_dma2 semaphore(%run_scoped3A : memref<!tpu.dma_semaphore, #tpu.memory_space<semaphore_mem>>) src(%dma_wait3A_73 : memref<125x80xi32, #tpu.memory_space<hbm>>) dst(%arg9 : memref<125x80xi32, #tpu.memory_space<vmem>>)
      tpu.yield
    }) : () -> ()
    %dma_start3A = arith.constant 0 : i32
    %dma_start3A_3 = arith.constant 0 : i32
    %dma_start3A_4 = tpu.memref_slice %arg8[%dma_start3A, %dma_start3A_3] : memref<125x80xi32, #tpu.memory_space<vmem>> -> memref<1x80xi32, #tpu.memory_space<vmem>>
    %dma_start3A_5 = tpu.memref_squeeze %dma_start3A_4 : memref<1x80xi32, #tpu.memory_space<vmem>> -> memref<80xi32, #tpu.memory_space<vmem>>
    %dma_start3A_6 = arith.constant 0 : i32
    %dma_start3A_7 = arith.constant 0 : i32
    %dma_start3A_8 = tpu.memref_slice %arg4[%dma_start3A_6, %dma_start3A_7] : memref<10000x128xf32, #tpu.memory_space<hbm>> -> memref<10000x128xf32, #tpu.memory_space<hbm>>
    tpu.enqueue_indirect_dma source(%dma_start3A_8 : memref<10000x128xf32, #tpu.memory_space<hbm>>) target(%arg10 : memref<80x128xf32, #tpu.memory_space<vmem>>) offsets(%dma_start3A_5 : memref<80xi32, #tpu.memory_space<vmem>>) semaphore(%arg14 : memref<!tpu.dma_semaphore, #tpu.memory_space<semaphore_mem>>)
    %dma_start3A_9 = arith.constant 0 : i32
    %dma_start3A_10 = arith.constant 0 : i32
    %dma_start3A_11 = tpu.memref_slice %arg9[%dma_start3A_9, %dma_start3A_10] : memref<125x80xi32, #tpu.memory_space<vmem>> -> memref<1x80xi32, #tpu.memory_space<vmem>>
    %dma_start3A_12 = tpu.memref_squeeze %dma_start3A_11 : memref<1x80xi32, #tpu.memory_space<vmem>> -> memref<80xi32, #tpu.memory_space<vmem>>
    %dma_start3A_13 = arith.constant 0 : i32
    %dma_start3A_14 = arith.constant 0 : i32
    %dma_start3A_15 = tpu.memref_slice %arg5[%dma_start3A_13, %dma_start3A_14] : memref<10000x128xf32, #tpu.memory_space<hbm>> -> memref<10000x128xf32, #tpu.memory_space<hbm>>
    tpu.enqueue_indirect_dma source(%dma_start3A_15 : memref<10000x128xf32, #tpu.memory_space<hbm>>) target(%arg11 : memref<80x128xf32, #tpu.memory_space<vmem>>) offsets(%dma_start3A_12 : memref<80xi32, #tpu.memory_space<vmem>>) semaphore(%arg14 : memref<!tpu.dma_semaphore, #tpu.memory_space<semaphore_mem>>)
    %scan3A = arith.constant 0 : i32
    %scan3A_16 = arith.constant 0 : i32
    %scan3A_17 = arith.constant 62 : i32
    %scan3A_18 = arith.addi %scan3A_16, %scan3A_17 : i32
    %scan3A_19 = arith.constant 1 : i32
    scf.for %scan3A_58 = %scan3A_16 to %scan3A_18 step %scan3A_19  : i32 {
      %mul3A_59 = arith.constant 2 : i32
      %mul3A_60 = arith.muli %mul3A_59, %scan3A_58 : i32
      %add3A_61 = arith.constant 1 : i32
      %add3A_62 = arith.addi %mul3A_60, %add3A_61 : i32
      %add3A_63 = arith.constant 2 : i32
      %add3A_64 = arith.addi %mul3A_60, %add3A_63 : i32
      %dma_wait3A_65 = arith.constant 0 : i32
      %dma_wait3A_66 = tpu.memref_slice %arg8[%mul3A_60, %dma_wait3A_65] : memref<125x80xi32, #tpu.memory_space<vmem>> -> memref<1x80xi32, #tpu.memory_space<vmem>>
      %dma_wait3A_67 = tpu.memref_squeeze %dma_wait3A_66 : memref<1x80xi32, #tpu.memory_space<vmem>> -> memref<80xi32, #tpu.memory_space<vmem>>
      %dma_wait3A_68 = arith.constant 0 : i32
      %dma_wait3A_69 = arith.constant 0 : i32
      %dma_wait3A_70 = tpu.memref_slice %arg4[%dma_wait3A_68, %dma_wait3A_69] : memref<10000x128xf32, #tpu.memory_space<hbm>> -> memref<10000x128xf32, #tpu.memory_space<hbm>>
      tpu.wait_indirect_dma semaphore(%arg14 : memref<!tpu.dma_semaphore, #tpu.memory_space<semaphore_mem>>) src(%dma_wait3A_70 : memref<10000x128xf32, #tpu.memory_space<hbm>>) dst(%arg10 : memref<80x128xf32, #tpu.memory_space<vmem>>)
      %dma_wait3A_71 = arith.constant 0 : i32
      %dma_wait3A_72 = tpu.memref_slice %arg9[%mul3A_60, %dma_wait3A_71] : memref<125x80xi32, #tpu.memory_space<vmem>> -> memref<1x80xi32, #tpu.memory_space<vmem>>
      %dma_wait3A_73 = tpu.memref_squeeze %dma_wait3A_72 : memref<1x80xi32, #tpu.memory_space<vmem>> -> memref<80xi32, #tpu.memory_space<vmem>>
      %dma_wait3A_74 = arith.constant 0 : i32
      %dma_wait3A_75 = arith.constant 0 : i32
      %dma_wait3A_76 = tpu.memref_slice %arg5[%dma_wait3A_74, %dma_wait3A_75] : memref<10000x128xf32, #tpu.memory_space<hbm>> -> memref<10000x128xf32, #tpu.memory_space<hbm>>
      tpu.wait_indirect_dma semaphore(%arg14 : memref<!tpu.dma_semaphore, #tpu.memory_space<semaphore_mem>>) src(%dma_wait3A_76 : memref<10000x128xf32, #tpu.memory_space<hbm>>) dst(%arg11 : memref<80x128xf32, #tpu.memory_space<vmem>>)
      %dma_start3A_77 = arith.constant 0 : i32
      %dma_start3A_78 = tpu.memref_slice %arg8[%add3A_62, %dma_start3A_77] : memref<125x80xi32, #tpu.memory_space<vmem>> -> memref<1x80xi32, #tpu.memory_space<vmem>>
      %dma_start3A_79 = tpu.memref_squeeze %dma_start3A_78 : memref<1x80xi32, #tpu.memory_space<vmem>> -> memref<80xi32, #tpu.memory_space<vmem>>
      %dma_start3A_80 = arith.constant 0 : i32
      %dma_start3A_81 = arith.constant 0 : i32
      %dma_start3A_82 = tpu.memref_slice %arg4[%dma_start3A_80, %dma_start3A_81] : memref<10000x128xf32, #tpu.memory_space<hbm>> -> memref<10000x128xf32, #tpu.memory_space<hbm>>
      tpu.enqueue_indirect_dma source(%dma_start3A_82 : memref<10000x128xf32, #tpu.memory_space<hbm>>) target(%arg12 : memref<80x128xf32, #tpu.memory_space<vmem>>) offsets(%dma_start3A_79 : memref<80xi32, #tpu.memory_space<vmem>>) semaphore(%arg15 : memref<!tpu.dma_semaphore, #tpu.memory_space<semaphore_mem>>)
      %dma_start3A_83 = arith.constant 0 : i32
      %dma_start3A_84 = tpu.memref_slice %arg9[%add3A_62, %dma_start3A_83] : memref<125x80xi32, #tpu.memory_space<vmem>> -> memref<1x80xi32, #tpu.memory_space<vmem>>
      %dma_start3A_85 = tpu.memref_squeeze %dma_start3A_84 : memref<1x80xi32, #tpu.memory_space<vmem>> -> memref<80xi32, #tpu.memory_space<vmem>>
      %dma_start3A_86 = arith.constant 0 : i32
      %dma_start3A_87 = arith.constant 0 : i32
      %dma_start3A_88 = tpu.memref_slice %arg5[%dma_start3A_86, %dma_start3A_87] : memref<10000x128xf32, #tpu.memory_space<hbm>> -> memref<10000x128xf32, #tpu.memory_space<hbm>>
      tpu.enqueue_indirect_dma source(%dma_start3A_88 : memref<10000x128xf32, #tpu.memory_space<hbm>>) target(%arg13 : memref<80x128xf32, #tpu.memory_space<vmem>>) offsets(%dma_start3A_85 : memref<80xi32, #tpu.memory_space<vmem>>) semaphore(%arg15 : memref<!tpu.dma_semaphore, #tpu.memory_space<semaphore_mem>>)
      %mul3A_89 = arith.constant 80 : i32
      %mul3A_90 = arith.muli %mul3A_60, %mul3A_89 : i32
      %add3A_91 = arith.addi %mul3A_2, %mul3A_90 : i32
      %dma_start3A_92 = arith.constant 0 : i32
      %dma_start3A_93 = tpu.memref_slice %arg6[%add3A_91, %dma_start3A_92] : memref<320000x128xf32, #tpu.memory_space<hbm>> -> memref<80x128xf32, #tpu.memory_space<hbm>>
      %dma_start3A_94 = arith.constant 0 : i32
      %dma_start3A_95 = tpu.memref_slice %arg6[%add3A_91, %dma_start3A_94] : memref<320000x128xf32, #tpu.memory_space<hbm>> -> memref<80x128xf32, #tpu.memory_space<hbm>>
      tpu.enqueue_dma source(%arg10 : memref<80x128xf32, #tpu.memory_space<vmem>>) target(%dma_start3A_95 : memref<80x128xf32, #tpu.memory_space<hbm>>) target_semaphore(%arg16 : memref<!tpu.dma_semaphore, #tpu.memory_space<semaphore_mem>>)
      %mul3A_96 = arith.constant 80 : i32
      %mul3A_97 = arith.muli %mul3A_60, %mul3A_96 : i32
      %add3A_98 = arith.addi %mul3A_2, %mul3A_97 : i32
      %dma_start3A_99 = arith.constant 0 : i32
      %dma_start3A_100 = tpu.memref_slice %arg7[%add3A_98, %dma_start3A_99] : memref<320000x128xf32, #tpu.memory_space<hbm>> -> memref<80x128xf32, #tpu.memory_space<hbm>>
      %dma_start3A_101 = arith.constant 0 : i32
      %dma_start3A_102 = tpu.memref_slice %arg7[%add3A_98, %dma_start3A_101] : memref<320000x128xf32, #tpu.memory_space<hbm>> -> memref<80x128xf32, #tpu.memory_space<hbm>>
      tpu.enqueue_dma source(%arg11 : memref<80x128xf32, #tpu.memory_space<vmem>>) target(%dma_start3A_102 : memref<80x128xf32, #tpu.memory_space<hbm>>) target_semaphore(%arg16 : memref<!tpu.dma_semaphore, #tpu.memory_space<semaphore_mem>>)
      %dma_wait3A_103 = arith.constant 0 : i32
      %dma_wait3A_104 = tpu.memref_slice %arg8[%add3A_62, %dma_wait3A_103] : memref<125x80xi32, #tpu.memory_space<vmem>> -> memref<1x80xi32, #tpu.memory_space<vmem>>
      %dma_wait3A_105 = tpu.memref_squeeze %dma_wait3A_104 : memref<1x80xi32, #tpu.memory_space<vmem>> -> memref<80xi32, #tpu.memory_space<vmem>>
      %dma_wait3A_106 = arith.constant 0 : i32
      %dma_wait3A_107 = arith.constant 0 : i32
      %dma_wait3A_108 = tpu.memref_slice %arg4[%dma_wait3A_106, %dma_wait3A_107] : memref<10000x128xf32, #tpu.memory_space<hbm>> -> memref<10000x128xf32, #tpu.memory_space<hbm>>
      tpu.wait_indirect_dma semaphore(%arg15 : memref<!tpu.dma_semaphore, #tpu.memory_space<semaphore_mem>>) src(%dma_wait3A_108 : memref<10000x128xf32, #tpu.memory_space<hbm>>) dst(%arg12 : memref<80x128xf32, #tpu.memory_space<vmem>>)
      %dma_wait3A_109 = arith.constant 0 : i32
      %dma_wait3A_110 = tpu.memref_slice %arg9[%add3A_62, %dma_wait3A_109] : memref<125x80xi32, #tpu.memory_space<vmem>> -> memref<1x80xi32, #tpu.memory_space<vmem>>
      %dma_wait3A_111 = tpu.memref_squeeze %dma_wait3A_110 : memref<1x80xi32, #tpu.memory_space<vmem>> -> memref<80xi32, #tpu.memory_space<vmem>>
      %dma_wait3A_112 = arith.constant 0 : i32
      %dma_wait3A_113 = arith.constant 0 : i32
      %dma_wait3A_114 = tpu.memref_slice %arg5[%dma_wait3A_112, %dma_wait3A_113] : memref<10000x128xf32, #tpu.memory_space<hbm>> -> memref<10000x128xf32, #tpu.memory_space<hbm>>
      tpu.wait_indirect_dma semaphore(%arg15 : memref<!tpu.dma_semaphore, #tpu.memory_space<semaphore_mem>>) src(%dma_wait3A_114 : memref<10000x128xf32, #tpu.memory_space<hbm>>) dst(%arg13 : memref<80x128xf32, #tpu.memory_space<vmem>>)
      %mul3A_115 = arith.constant 80 : i32
      %mul3A_116 = arith.muli %mul3A_60, %mul3A_115 : i32
      %add3A_117 = arith.addi %mul3A_2, %mul3A_116 : i32
      %dma_wait3A_118 = arith.constant 0 : i32
      %dma_wait3A_119 = tpu.memref_slice %arg6[%add3A_117, %dma_wait3A_118] : memref<320000x128xf32, #tpu.memory_space<hbm>> -> memref<80x128xf32, #tpu.memory_space<hbm>>
      %dma_wait3A_120 = arith.constant 0 : i32
      %dma_wait3A_121 = tpu.memref_slice %arg6[%add3A_117, %dma_wait3A_120] : memref<320000x128xf32, #tpu.memory_space<hbm>> -> memref<80x128xf32, #tpu.memory_space<hbm>>
      tpu.wait_dma2 semaphore(%arg16 : memref<!tpu.dma_semaphore, #tpu.memory_space<semaphore_mem>>) src(%arg10 : memref<80x128xf32, #tpu.memory_space<vmem>>) dst(%dma_wait3A_121 : memref<80x128xf32, #tpu.memory_space<hbm>>)
      %mul3A_122 = arith.constant 80 : i32
      %mul3A_123 = arith.muli %mul3A_60, %mul3A_122 : i32
      %add3A_124 = arith.addi %mul3A_2, %mul3A_123 : i32
      %dma_wait3A_125 = arith.constant 0 : i32
      %dma_wait3A_126 = tpu.memref_slice %arg7[%add3A_124, %dma_wait3A_125] : memref<320000x128xf32, #tpu.memory_space<hbm>> -> memref<80x128xf32, #tpu.memory_space<hbm>>
      %dma_wait3A_127 = arith.constant 0 : i32
      %dma_wait3A_128 = tpu.memref_slice %arg7[%add3A_124, %dma_wait3A_127] : memref<320000x128xf32, #tpu.memory_space<hbm>> -> memref<80x128xf32, #tpu.memory_space<hbm>>
      tpu.wait_dma2 semaphore(%arg16 : memref<!tpu.dma_semaphore, #tpu.memory_space<semaphore_mem>>) src(%arg11 : memref<80x128xf32, #tpu.memory_space<vmem>>) dst(%dma_wait3A_128 : memref<80x128xf32, #tpu.memory_space<hbm>>)
      %dma_start3A_129 = arith.constant 0 : i32
      %dma_start3A_130 = tpu.memref_slice %arg8[%add3A_64, %dma_start3A_129] : memref<125x80xi32, #tpu.memory_space<vmem>> -> memref<1x80xi32, #tpu.memory_space<vmem>>
      %dma_start3A_131 = tpu.memref_squeeze %dma_start3A_130 : memref<1x80xi32, #tpu.memory_space<vmem>> -> memref<80xi32, #tpu.memory_space<vmem>>
      %dma_start3A_132 = arith.constant 0 : i32
      %dma_start3A_133 = arith.constant 0 : i32
      %dma_start3A_134 = tpu.memref_slice %arg4[%dma_start3A_132, %dma_start3A_133] : memref<10000x128xf32, #tpu.memory_space<hbm>> -> memref<10000x128xf32, #tpu.memory_space<hbm>>
      tpu.enqueue_indirect_dma source(%dma_start3A_134 : memref<10000x128xf32, #tpu.memory_space<hbm>>) target(%arg10 : memref<80x128xf32, #tpu.memory_space<vmem>>) offsets(%dma_start3A_131 : memref<80xi32, #tpu.memory_space<vmem>>) semaphore(%arg14 : memref<!tpu.dma_semaphore, #tpu.memory_space<semaphore_mem>>)
      %dma_start3A_135 = arith.constant 0 : i32
      %dma_start3A_136 = tpu.memref_slice %arg9[%add3A_64, %dma_start3A_135] : memref<125x80xi32, #tpu.memory_space<vmem>> -> memref<1x80xi32, #tpu.memory_space<vmem>>
      %dma_start3A_137 = tpu.memref_squeeze %dma_start3A_136 : memref<1x80xi32, #tpu.memory_space<vmem>> -> memref<80xi32, #tpu.memory_space<vmem>>
      %dma_start3A_138 = arith.constant 0 : i32
      %dma_start3A_139 = arith.constant 0 : i32
      %dma_start3A_140 = tpu.memref_slice %arg5[%dma_start3A_138, %dma_start3A_139] : memref<10000x128xf32, #tpu.memory_space<hbm>> -> memref<10000x128xf32, #tpu.memory_space<hbm>>
      tpu.enqueue_indirect_dma source(%dma_start3A_140 : memref<10000x128xf32, #tpu.memory_space<hbm>>) target(%arg11 : memref<80x128xf32, #tpu.memory_space<vmem>>) offsets(%dma_start3A_137 : memref<80xi32, #tpu.memory_space<vmem>>) semaphore(%arg14 : memref<!tpu.dma_semaphore, #tpu.memory_space<semaphore_mem>>)
      %mul3A_141 = arith.constant 80 : i32
      %mul3A_142 = arith.muli %add3A_62, %mul3A_141 : i32
      %add3A_143 = arith.addi %mul3A_2, %mul3A_142 : i32
      %dma_start3A_144 = arith.constant 0 : i32
      %dma_start3A_145 = tpu.memref_slice %arg6[%add3A_143, %dma_start3A_144] : memref<320000x128xf32, #tpu.memory_space<hbm>> -> memref<80x128xf32, #tpu.memory_space<hbm>>
      %dma_start3A_146 = arith.constant 0 : i32
      %dma_start3A_147 = tpu.memref_slice %arg6[%add3A_143, %dma_start3A_146] : memref<320000x128xf32, #tpu.memory_space<hbm>> -> memref<80x128xf32, #tpu.memory_space<hbm>>
      tpu.enqueue_dma source(%arg12 : memref<80x128xf32, #tpu.memory_space<vmem>>) target(%dma_start3A_147 : memref<80x128xf32, #tpu.memory_space<hbm>>) target_semaphore(%arg17 : memref<!tpu.dma_semaphore, #tpu.memory_space<semaphore_mem>>)
      %mul3A_148 = arith.constant 80 : i32
      %mul3A_149 = arith.muli %add3A_62, %mul3A_148 : i32
      %add3A_150 = arith.addi %mul3A_2, %mul3A_149 : i32
      %dma_start3A_151 = arith.constant 0 : i32
      %dma_start3A_152 = tpu.memref_slice %arg7[%add3A_150, %dma_start3A_151] : memref<320000x128xf32, #tpu.memory_space<hbm>> -> memref<80x128xf32, #tpu.memory_space<hbm>>
      %dma_start3A_153 = arith.constant 0 : i32
      %dma_start3A_154 = tpu.memref_slice %arg7[%add3A_150, %dma_start3A_153] : memref<320000x128xf32, #tpu.memory_space<hbm>> -> memref<80x128xf32, #tpu.memory_space<hbm>>
      tpu.enqueue_dma source(%arg13 : memref<80x128xf32, #tpu.memory_space<vmem>>) target(%dma_start3A_154 : memref<80x128xf32, #tpu.memory_space<hbm>>) target_semaphore(%arg17 : memref<!tpu.dma_semaphore, #tpu.memory_space<semaphore_mem>>)
      %mul3A_155 = arith.constant 80 : i32
      %mul3A_156 = arith.muli %add3A_62, %mul3A_155 : i32
      %add3A_157 = arith.addi %mul3A_2, %mul3A_156 : i32
      %dma_wait3A_158 = arith.constant 0 : i32
      %dma_wait3A_159 = tpu.memref_slice %arg6[%add3A_157, %dma_wait3A_158] : memref<320000x128xf32, #tpu.memory_space<hbm>> -> memref<80x128xf32, #tpu.memory_space<hbm>>
      %dma_wait3A_160 = arith.constant 0 : i32
      %dma_wait3A_161 = tpu.memref_slice %arg6[%add3A_157, %dma_wait3A_160] : memref<320000x128xf32, #tpu.memory_space<hbm>> -> memref<80x128xf32, #tpu.memory_space<hbm>>
      tpu.wait_dma2 semaphore(%arg17 : memref<!tpu.dma_semaphore, #tpu.memory_space<semaphore_mem>>) src(%arg12 : memref<80x128xf32, #tpu.memory_space<vmem>>) dst(%dma_wait3A_161 : memref<80x128xf32, #tpu.memory_space<hbm>>)
      %mul3A_162 = arith.constant 80 : i32
      %mul3A_163 = arith.muli %add3A_62, %mul3A_162 : i32
      %add3A_164 = arith.addi %mul3A_2, %mul3A_163 : i32
      %dma_wait3A_165 = arith.constant 0 : i32
      %dma_wait3A_166 = tpu.memref_slice %arg7[%add3A_164, %dma_wait3A_165] : memref<320000x128xf32, #tpu.memory_space<hbm>> -> memref<80x128xf32, #tpu.memory_space<hbm>>
      %dma_wait3A_167 = arith.constant 0 : i32
      %dma_wait3A_168 = tpu.memref_slice %arg7[%add3A_164, %dma_wait3A_167] : memref<320000x128xf32, #tpu.memory_space<hbm>> -> memref<80x128xf32, #tpu.memory_space<hbm>>
      tpu.wait_dma2 semaphore(%arg17 : memref<!tpu.dma_semaphore, #tpu.memory_space<semaphore_mem>>) src(%arg13 : memref<80x128xf32, #tpu.memory_space<vmem>>) dst(%dma_wait3A_168 : memref<80x128xf32, #tpu.memory_space<hbm>>)
    }
    %scan3A_20 = arith.constant 62 : i32
    %dma_wait3A = arith.constant 124 : i32
    %dma_wait3A_21 = arith.constant 0 : i32
    %dma_wait3A_22 = tpu.memref_slice %arg8[%dma_wait3A, %dma_wait3A_21] : memref<125x80xi32, #tpu.memory_space<vmem>> -> memref<1x80xi32, #tpu.memory_space<vmem>>
    %dma_wait3A_23 = tpu.memref_squeeze %dma_wait3A_22 : memref<1x80xi32, #tpu.memory_space<vmem>> -> memref<80xi32, #tpu.memory_space<vmem>>
    %dma_wait3A_24 = arith.constant 0 : i32
    %dma_wait3A_25 = arith.constant 0 : i32
    %dma_wait3A_26 = tpu.memref_slice %arg4[%dma_wait3A_24, %dma_wait3A_25] : memref<10000x128xf32, #tpu.memory_space<hbm>> -> memref<10000x128xf32, #tpu.memory_space<hbm>>
    tpu.wait_indirect_dma semaphore(%arg14 : memref<!tpu.dma_semaphore, #tpu.memory_space<semaphore_mem>>) src(%dma_wait3A_26 : memref<10000x128xf32, #tpu.memory_space<hbm>>) dst(%arg10 : memref<80x128xf32, #tpu.memory_space<vmem>>)
    %dma_wait3A_27 = arith.constant 124 : i32
    %dma_wait3A_28 = arith.constant 0 : i32
    %dma_wait3A_29 = tpu.memref_slice %arg9[%dma_wait3A_27, %dma_wait3A_28] : memref<125x80xi32, #tpu.memory_space<vmem>> -> memref<1x80xi32, #tpu.memory_space<vmem>>
    %dma_wait3A_30 = tpu.memref_squeeze %dma_wait3A_29 : memref<1x80xi32, #tpu.memory_space<vmem>> -> memref<80xi32, #tpu.memory_space<vmem>>
    %dma_wait3A_31 = arith.constant 0 : i32
    %dma_wait3A_32 = arith.constant 0 : i32
    %dma_wait3A_33 = tpu.memref_slice %arg5[%dma_wait3A_31, %dma_wait3A_32] : memref<10000x128xf32, #tpu.memory_space<hbm>> -> memref<10000x128xf32, #tpu.memory_space<hbm>>
    tpu.wait_indirect_dma semaphore(%arg14 : memref<!tpu.dma_semaphore, #tpu.memory_space<semaphore_mem>>) src(%dma_wait3A_33 : memref<10000x128xf32, #tpu.memory_space<hbm>>) dst(%arg11 : memref<80x128xf32, #tpu.memory_space<vmem>>)
    %add3A_34 = arith.constant 9920 : i32
    %add3A_35 = arith.addi %mul3A_2, %add3A_34 : i32
    %dma_start3A_36 = arith.constant 0 : i32
    %dma_start3A_37 = tpu.memref_slice %arg6[%add3A_35, %dma_start3A_36] : memref<320000x128xf32, #tpu.memory_space<hbm>> -> memref<80x128xf32, #tpu.memory_space<hbm>>
    %dma_start3A_38 = arith.constant 0 : i32
    %dma_start3A_39 = tpu.memref_slice %arg6[%add3A_35, %dma_start3A_38] : memref<320000x128xf32, #tpu.memory_space<hbm>> -> memref<80x128xf32, #tpu.memory_space<hbm>>
    tpu.enqueue_dma source(%arg10 : memref<80x128xf32, #tpu.memory_space<vmem>>) target(%dma_start3A_39 : memref<80x128xf32, #tpu.memory_space<hbm>>) target_semaphore(%arg16 : memref<!tpu.dma_semaphore, #tpu.memory_space<semaphore_mem>>)
    %add3A_40 = arith.constant 9920 : i32
    %add3A_41 = arith.addi %mul3A_2, %add3A_40 : i32
    %dma_start3A_42 = arith.constant 0 : i32
    %dma_start3A_43 = tpu.memref_slice %arg7[%add3A_41, %dma_start3A_42] : memref<320000x128xf32, #tpu.memory_space<hbm>> -> memref<80x128xf32, #tpu.memory_space<hbm>>
    %dma_start3A_44 = arith.constant 0 : i32
    %dma_start3A_45 = tpu.memref_slice %arg7[%add3A_41, %dma_start3A_44] : memref<320000x128xf32, #tpu.memory_space<hbm>> -> memref<80x128xf32, #tpu.memory_space<hbm>>
    tpu.enqueue_dma source(%arg11 : memref<80x128xf32, #tpu.memory_space<vmem>>) target(%dma_start3A_45 : memref<80x128xf32, #tpu.memory_space<hbm>>) target_semaphore(%arg16 : memref<!tpu.dma_semaphore, #tpu.memory_space<semaphore_mem>>)
    %add3A_46 = arith.constant 9920 : i32
    %add3A_47 = arith.addi %mul3A_2, %add3A_46 : i32
    %dma_wait3A_48 = arith.constant 0 : i32
    %dma_wait3A_49 = tpu.memref_slice %arg6[%add3A_47, %dma_wait3A_48] : memref<320000x128xf32, #tpu.memory_space<hbm>> -> memref<80x128xf32, #tpu.memory_space<hbm>>
    %dma_wait3A_50 = arith.constant 0 : i32
    %dma_wait3A_51 = tpu.memref_slice %arg6[%add3A_47, %dma_wait3A_50] : memref<320000x128xf32, #tpu.memory_space<hbm>> -> memref<80x128xf32, #tpu.memory_space<hbm>>
    tpu.wait_dma2 semaphore(%arg16 : memref<!tpu.dma_semaphore, #tpu.memory_space<semaphore_mem>>) src(%arg10 : memref<80x128xf32, #tpu.memory_space<vmem>>) dst(%dma_wait3A_51 : memref<80x128xf32, #tpu.memory_space<hbm>>)
    %add3A_52 = arith.constant 9920 : i32
    %add3A_53 = arith.addi %mul3A_2, %add3A_52 : i32
    %dma_wait3A_54 = arith.constant 0 : i32
    %dma_wait3A_55 = tpu.memref_slice %arg7[%add3A_53, %dma_wait3A_54] : memref<320000x128xf32, #tpu.memory_space<hbm>> -> memref<80x128xf32, #tpu.memory_space<hbm>>
    %dma_wait3A_56 = arith.constant 0 : i32
    %dma_wait3A_57 = tpu.memref_slice %arg7[%add3A_53, %dma_wait3A_56] : memref<320000x128xf32, #tpu.memory_space<hbm>> -> memref<80x128xf32, #tpu.memory_space<hbm>>
    tpu.wait_dma2 semaphore(%arg16 : memref<!tpu.dma_semaphore, #tpu.memory_space<semaphore_mem>>) src(%arg11 : memref<80x128xf32, #tpu.memory_space<vmem>>) dst(%dma_wait3A_57 : memref<80x128xf32, #tpu.memory_space<hbm>>)
    return
  }
}

module attributes {stable_mosaic.version = 14 : i64} {
  func.func @_k1_body(%arg0: memref<10000x128xf32, #tpu.memory_space<vmem>>, %arg1: memref<128x128xf32, #tpu.memory_space<vmem>>, %arg2: memref<128x128xf32, #tpu.memory_space<vmem>>, %arg3: memref<1x128xf32, #tpu.memory_space<vmem>>, %arg4: memref<10000x128xf32, #tpu.memory_space<vmem>>, %arg5: memref<10000x128xf32, #tpu.memory_space<vmem>>) attributes {dimension_semantics = [], scalar_prefetch = 0 : i64, scratch_operands = 0 : i64, tpu.core_type = #tpu.core_type<tc>} {
    %get3A = arith.constant 0 : index
    %get3A_0 = arith.constant 0 : index
    %get3A_1 = vector.load %arg0[%get3A, %get3A_0] : memref<10000x128xf32, #tpu.memory_space<vmem>>, vector<10000x128xf32>
    %get3A_2 = arith.constant 0 : index
    %get3A_3 = arith.constant 0 : index
    %get3A_4 = vector.load %arg1[%get3A_2, %get3A_3] : memref<128x128xf32, #tpu.memory_space<vmem>>, vector<128x128xf32>
    %dot_general3A = arith.constant dense<0.000000e+00> : vector<10000x128xf32>
    %dot_general3A_5 = tpu.matmul %get3A_1, %get3A_4, %dot_general3A {dimension_numbers = #tpu.dot_dimension_numbers<[1], [0], [0], [1], [0, 0, 1, 1], [], []>, transpose_lhs_hint = false} : vector<10000x128xf32>, vector<128x128xf32>, vector<10000x128xf32> -> vector<10000x128xf32>
    %get3A_6 = arith.constant 0 : index
    %get3A_7 = arith.constant 0 : index
    %get3A_8 = vector.load %arg3[%get3A_6, %get3A_7] : memref<1x128xf32, #tpu.memory_space<vmem>>, vector<1x128xf32>
    %add3A = vector.broadcast %get3A_8 : vector<1x128xf32> to vector<10000x128xf32>
    %add3A_9 = arith.addf %dot_general3A_5, %add3A : vector<10000x128xf32>
    %swap3A = arith.constant 0 : index
    %swap3A_10 = arith.constant 0 : index
    %swap3A_11 = vector.load %arg4[%swap3A, %swap3A_10] : memref<10000x128xf32, #tpu.memory_space<vmem>>, vector<10000x128xf32>
    tpu.vector_store %arg4[%swap3A, %swap3A_10], %add3A_9 {strides = array<i32>} : memref<10000x128xf32, #tpu.memory_space<vmem>>, vector<10000x128xf32>,
    %get3A_12 = arith.constant 0 : index
    %get3A_13 = arith.constant 0 : index
    %get3A_14 = vector.load %arg2[%get3A_12, %get3A_13] : memref<128x128xf32, #tpu.memory_space<vmem>>, vector<128x128xf32>
    %dot_general3A_15 = arith.constant dense<0.000000e+00> : vector<10000x128xf32>
    %dot_general3A_16 = tpu.matmul %get3A_1, %get3A_14, %dot_general3A_15 {dimension_numbers = #tpu.dot_dimension_numbers<[1], [0], [0], [1], [0, 0, 1, 1], [], []>, transpose_lhs_hint = false} : vector<10000x128xf32>, vector<128x128xf32>, vector<10000x128xf32> -> vector<10000x128xf32>
    %swap3A_17 = arith.constant 0 : index
    %swap3A_18 = arith.constant 0 : index
    %swap3A_19 = vector.load %arg5[%swap3A_17, %swap3A_18] : memref<10000x128xf32, #tpu.memory_space<vmem>>, vector<10000x128xf32>
    tpu.vector_store %arg5[%swap3A_17, %swap3A_18], %dot_general3A_16 {strides = array<i32>} : memref<10000x128xf32, #tpu.memory_space<vmem>>, vector<10000x128xf32>,
    return
  }
}

module attributes {stable_mosaic.version = 14 : i64} {
  func.func @_k3_body(%arg0: i32, %arg1: memref<2000x128xf32, #tpu.memory_space<vmem>>, %arg2: memref<2000x128xf32, #tpu.memory_space<vmem>>, %arg3: memref<2000x128xf32, #tpu.memory_space<vmem>>, %arg4: memref<128x128xbf16, #tpu.memory_space<vmem>>, %arg5: memref<128x128xbf16, #tpu.memory_space<vmem>>, %arg6: memref<1x128xf32, #tpu.memory_space<vmem>>, %arg7: memref<2000x128xf32, #tpu.memory_space<vmem>>, %arg8: memref<2000x128xf32, #tpu.memory_space<vmem>>) attributes {dimension_semantics = [#tpu.dimension_semantics<arbitrary>], iteration_bounds = array<i64: 160>, scalar_prefetch = 0 : i64, scratch_operands = 0 : i64, tpu.core_type = #tpu.core_type<tc>, window_params = [{transform_indices = @transform_0, window_bounds = array<i64: 2000, 128>}, {transform_indices = @transform_1, window_bounds = array<i64: 2000, 128>}, {transform_indices = @transform_2, window_bounds = array<i64: 2000, 128>}, {pipeline_mode = #tpu.pipeline_mode<synchronous>, transform_indices = @transform_3, window_bounds = array<i64: 128, 128>}, {pipeline_mode = #tpu.pipeline_mode<synchronous>, transform_indices = @transform_4, window_bounds = array<i64: 128, 128>}, {pipeline_mode = #tpu.pipeline_mode<synchronous>, transform_indices = @transform_5, window_bounds = array<i64: 1, 128>}, {transform_indices = @transform_6, window_bounds = array<i64: 2000, 128>}, {transform_indices = @transform_7, window_bounds = array<i64: 2000, 128>}]} {
    %get3A = arith.constant 0 : index
    %get3A_0 = arith.constant 0 : index
    %get3A_1 = vector.load %arg1[%get3A, %get3A_0] : memref<2000x128xf32, #tpu.memory_space<vmem>>, vector<2000x128xf32>
    %convert_element_type3A = arith.truncf %get3A_1 : vector<2000x128xf32> to vector<2000x128xbf16>
    %get3A_2 = arith.constant 0 : index
    %get3A_3 = arith.constant 0 : index
    %get3A_4 = vector.load %arg4[%get3A_2, %get3A_3] : memref<128x128xbf16, #tpu.memory_space<vmem>>, vector<128x128xbf16>
    %dot_general3A = arith.constant dense<0.000000e+00> : vector<2000x128xf32>
    %dot_general3A_5 = tpu.matmul %convert_element_type3A, %get3A_4, %dot_general3A {dimension_numbers = #tpu.dot_dimension_numbers<[1], [0], [0], [1], [0, 0, 1, 1], [], []>, transpose_lhs_hint = false} : vector<2000x128xbf16>, vector<128x128xbf16>, vector<2000x128xf32> -> vector<2000x128xf32>
    %get3A_6 = arith.constant 0 : index
    %get3A_7 = arith.constant 0 : index
    %get3A_8 = vector.load %arg2[%get3A_6, %get3A_7] : memref<2000x128xf32, #tpu.memory_space<vmem>>, vector<2000x128xf32>
    %add3A = arith.addf %dot_general3A_5, %get3A_8 : vector<2000x128xf32>
    %get3A_9 = arith.constant 0 : index
    %get3A_10 = arith.constant 0 : index
    %get3A_11 = vector.load %arg3[%get3A_9, %get3A_10] : memref<2000x128xf32, #tpu.memory_space<vmem>>, vector<2000x128xf32>
    %add3A_12 = arith.addf %add3A, %get3A_11 : vector<2000x128xf32>
    %logistic3A = arith.negf %add3A_12 : vector<2000x128xf32>
    %logistic3A_13 = math.exp %logistic3A : vector<2000x128xf32>
    %logistic3A_14 = arith.constant 1.000000e+00 : f32
    %logistic3A_15 = vector.broadcast %logistic3A_14 : f32 to vector<2000x128xf32>
    %logistic3A_16 = arith.addf %logistic3A_15, %logistic3A_13 : vector<2000x128xf32>
    %logistic3A_17 = arith.divf %logistic3A_15, %logistic3A_16 : vector<2000x128xf32>
    %mul3A = arith.mulf %add3A_12, %logistic3A_17 : vector<2000x128xf32>
    %convert_element_type3A_18 = arith.truncf %mul3A : vector<2000x128xf32> to vector<2000x128xbf16>
    %get3A_19 = arith.constant 0 : index
    %get3A_20 = arith.constant 0 : index
    %get3A_21 = vector.load %arg5[%get3A_19, %get3A_20] : memref<128x128xbf16, #tpu.memory_space<vmem>>, vector<128x128xbf16>
    %dot_general3A_22 = arith.constant dense<0.000000e+00> : vector<2000x128xf32>
    %dot_general3A_23 = tpu.matmul %convert_element_type3A_18, %get3A_21, %dot_general3A_22 {dimension_numbers = #tpu.dot_dimension_numbers<[1], [0], [0], [1], [0, 0, 1, 1], [], []>, transpose_lhs_hint = false} : vector<2000x128xbf16>, vector<128x128xbf16>, vector<2000x128xf32> -> vector<2000x128xf32>
    %get3A_24 = arith.constant 0 : index
    %get3A_25 = arith.constant 0 : index
    %get3A_26 = vector.load %arg6[%get3A_24, %get3A_25] : memref<1x128xf32, #tpu.memory_space<vmem>>, vector<1x128xf32>
    %add3A_27 = vector.broadcast %get3A_26 : vector<1x128xf32> to vector<2000x128xf32>
    %add3A_28 = arith.addf %dot_general3A_23, %add3A_27 : vector<2000x128xf32>
    %swap3A = arith.constant 0 : index
    %swap3A_29 = arith.constant 0 : index
    %swap3A_30 = vector.load %arg8[%swap3A, %swap3A_29] : memref<2000x128xf32, #tpu.memory_space<vmem>>, vector<2000x128xf32>
    tpu.vector_store %arg8[%swap3A, %swap3A_29], %add3A_28 {strides = array<i32>} : memref<2000x128xf32, #tpu.memory_space<vmem>>, vector<2000x128xf32>,
    %add3A_31 = arith.addf %get3A_1, %add3A_28 : vector<2000x128xf32>
    %swap3A_32 = arith.constant 0 : index
    %swap3A_33 = arith.constant 0 : index
    %swap3A_34 = vector.load %arg7[%swap3A_32, %swap3A_33] : memref<2000x128xf32, #tpu.memory_space<vmem>>, vector<2000x128xf32>
    tpu.vector_store %arg7[%swap3A_32, %swap3A_33], %add3A_31 {strides = array<i32>} : memref<2000x128xf32, #tpu.memory_space<vmem>>, vector<2000x128xf32>,
    return
  }
  func.func @transform_0(%arg0: i32) -> (i32, i32) {
    %c0_i32 = arith.constant 0 : i32
    %c0_i32_0 = arith.constant 0 : i32
    return %arg0, %c0_i32 : i32, i32
  }
  func.func @transform_1(%arg0: i32) -> (i32, i32) {
    %c0_i32 = arith.constant 0 : i32
    %c0_i32_0 = arith.constant 0 : i32
    return %arg0, %c0_i32 : i32, i32
  }
  func.func @transform_2(%arg0: i32) -> (i32, i32) {
    %c0_i32 = arith.constant 0 : i32
    %c0_i32_0 = arith.constant 0 : i32
    return %arg0, %c0_i32 : i32, i32
  }
  func.func @transform_3(%arg0: i32) -> (i32, i32) {
    %c0_i32 = arith.constant 0 : i32
    %c0_i32_0 = arith.constant 0 : i32
    %c0_i32_1 = arith.constant 0 : i32
    return %c0_i32, %c0_i32_0 : i32, i32
  }
  func.func @transform_4(%arg0: i32) -> (i32, i32) {
    %c0_i32 = arith.constant 0 : i32
    %c0_i32_0 = arith.constant 0 : i32
    %c0_i32_1 = arith.constant 0 : i32
    return %c0_i32, %c0_i32_0 : i32, i32
  }
  func.func @transform_5(%arg0: i32) -> (i32, i32) {
    %c0_i32 = arith.constant 0 : i32
    %c0_i32_0 = arith.constant 0 : i32
    %c0_i32_1 = arith.constant 0 : i32
    return %c0_i32, %c0_i32_0 : i32, i32
  }
  func.func @transform_6(%arg0: i32) -> (i32, i32) {
    %c0_i32 = arith.constant 0 : i32
    %c0_i32_0 = arith.constant 0 : i32
    return %arg0, %c0_i32 : i32, i32
  }
  func.func @transform_7(%arg0: i32) -> (i32, i32) {
    %c0_i32 = arith.constant 0 : i32
    %c0_i32_0 = arith.constant 0 : i32
    return %arg0, %c0_i32 : i32, i32
  }
}

module attributes {stable_mosaic.version = 14 : i64} {
  func.func @_k5_body(%arg0: memref<10000x128xf32, #tpu.memory_space<vmem>>, %arg1: memref<2x10000x128xf32, #tpu.memory_space<vmem>>, %arg2: memref<128x128xf32, #tpu.memory_space<vmem>>, %arg3: memref<128x128xf32, #tpu.memory_space<vmem>>, %arg4: memref<1x128xf32, #tpu.memory_space<vmem>>, %arg5: memref<128x128xf32, #tpu.memory_space<vmem>>, %arg6: memref<1x128xf32, #tpu.memory_space<vmem>>, %arg7: memref<10000x128xf32, #tpu.memory_space<vmem>>) attributes {dimension_semantics = [], scalar_prefetch = 0 : i64, scratch_operands = 0 : i64, tpu.core_type = #tpu.core_type<tc>} {
    %get3A = arith.constant 0 : index
    %get3A_0 = arith.constant 0 : index
    %get3A_1 = vector.load %arg0[%get3A, %get3A_0] : memref<10000x128xf32, #tpu.memory_space<vmem>>, vector<10000x128xf32>
    %get3A_2 = arith.constant 0 : index
    %get3A_3 = arith.constant 0 : index
    %get3A_4 = arith.constant 0 : index
    %get3A_5 = vector.load %arg1[%get3A_2, %get3A_3, %get3A_4] : memref<2x10000x128xf32, #tpu.memory_space<vmem>>, vector<1x10000x128xf32>
    %get3A_6 = vector.shape_cast %get3A_5 : vector<1x10000x128xf32> to vector<10000x128xf32>
    %get3A_7 = arith.constant 1 : index
    %get3A_8 = arith.constant 0 : index
    %get3A_9 = arith.constant 0 : index
    %get3A_10 = vector.load %arg1[%get3A_7, %get3A_8, %get3A_9] : memref<2x10000x128xf32, #tpu.memory_space<vmem>>, vector<1x10000x128xf32>
    %get3A_11 = vector.shape_cast %get3A_10 : vector<1x10000x128xf32> to vector<10000x128xf32>
    %add3A = arith.addf %get3A_6, %get3A_11 : vector<10000x128xf32>
    %get3A_12 = arith.constant 0 : index
    %get3A_13 = arith.constant 0 : index
    %get3A_14 = vector.load %arg2[%get3A_12, %get3A_13] : memref<128x128xf32, #tpu.memory_space<vmem>>, vector<128x128xf32>
    %dot_general3A = arith.constant dense<0.000000e+00> : vector<10000x128xf32>
    %dot_general3A_15 = tpu.matmul %get3A_1, %get3A_14, %dot_general3A {dimension_numbers = #tpu.dot_dimension_numbers<[1], [0], [0], [1], [0, 0, 1, 1], [], []>, transpose_lhs_hint = false} : vector<10000x128xf32>, vector<128x128xf32>, vector<10000x128xf32> -> vector<10000x128xf32>
    %get3A_16 = arith.constant 0 : index
    %get3A_17 = arith.constant 0 : index
    %get3A_18 = vector.load %arg3[%get3A_16, %get3A_17] : memref<128x128xf32, #tpu.memory_space<vmem>>, vector<128x128xf32>
    %dot_general3A_19 = arith.constant dense<0.000000e+00> : vector<10000x128xf32>
    %dot_general3A_20 = tpu.matmul %add3A, %get3A_18, %dot_general3A_19 {dimension_numbers = #tpu.dot_dimension_numbers<[1], [0], [0], [1], [0, 0, 1, 1], [], []>, transpose_lhs_hint = false} : vector<10000x128xf32>, vector<128x128xf32>, vector<10000x128xf32> -> vector<10000x128xf32>
    %add3A_21 = arith.addf %dot_general3A_15, %dot_general3A_20 : vector<10000x128xf32>
    %get3A_22 = arith.constant 0 : index
    %get3A_23 = arith.constant 0 : index
    %get3A_24 = vector.load %arg4[%get3A_22, %get3A_23] : memref<1x128xf32, #tpu.memory_space<vmem>>, vector<1x128xf32>
    %add3A_25 = vector.broadcast %get3A_24 : vector<1x128xf32> to vector<10000x128xf32>
    %add3A_26 = arith.addf %add3A_21, %add3A_25 : vector<10000x128xf32>
    %logistic3A = arith.negf %add3A_26 : vector<10000x128xf32>
    %logistic3A_27 = math.exp %logistic3A : vector<10000x128xf32>
    %logistic3A_28 = arith.constant 1.000000e+00 : f32
    %logistic3A_29 = vector.broadcast %logistic3A_28 : f32 to vector<10000x128xf32>
    %logistic3A_30 = arith.addf %logistic3A_29, %logistic3A_27 : vector<10000x128xf32>
    %logistic3A_31 = arith.divf %logistic3A_29, %logistic3A_30 : vector<10000x128xf32>
    %mul3A = arith.mulf %add3A_26, %logistic3A_31 : vector<10000x128xf32>
    %get3A_32 = arith.constant 0 : index
    %get3A_33 = arith.constant 0 : index
    %get3A_34 = vector.load %arg5[%get3A_32, %get3A_33] : memref<128x128xf32, #tpu.memory_space<vmem>>, vector<128x128xf32>
    %dot_general3A_35 = arith.constant dense<0.000000e+00> : vector<10000x128xf32>
    %dot_general3A_36 = tpu.matmul %mul3A, %get3A_34, %dot_general3A_35 {dimension_numbers = #tpu.dot_dimension_numbers<[1], [0], [0], [1], [0, 0, 1, 1], [], []>, transpose_lhs_hint = false} : vector<10000x128xf32>, vector<128x128xf32>, vector<10000x128xf32> -> vector<10000x128xf32>
    %add3A_37 = arith.addf %get3A_1, %dot_general3A_36 : vector<10000x128xf32>
    %get3A_38 = arith.constant 0 : index
    %get3A_39 = arith.constant 0 : index
    %get3A_40 = vector.load %arg6[%get3A_38, %get3A_39] : memref<1x128xf32, #tpu.memory_space<vmem>>, vector<1x128xf32>
    %add3A_41 = vector.broadcast %get3A_40 : vector<1x128xf32> to vector<10000x128xf32>
    %add3A_42 = arith.addf %add3A_37, %add3A_41 : vector<10000x128xf32>
    %swap3A = arith.constant 0 : index
    %swap3A_43 = arith.constant 0 : index
    %swap3A_44 = vector.load %arg7[%swap3A, %swap3A_43] : memref<10000x128xf32, #tpu.memory_space<vmem>>, vector<10000x128xf32>
    tpu.vector_store %arg7[%swap3A, %swap3A_43], %add3A_42 {strides = array<i32>} : memref<10000x128xf32, #tpu.memory_space<vmem>>, vector<10000x128xf32>,
    return
  }
}

</mosaic_0001>

<sc_bundles>
// kernel: kernel.10.cloned.1.call-start
scs
__scs_entry_jumppad:
0x0: {  	(pc) =	sbr.rel $0x88, $3  }
0x1: {  	(tag) =	ssettag $0x0;
	lr =	simm.s32 $0x1  }
0x2: {  	[smem:$0x3F96] =	sst lr;
	_ =	strace $0xD0000000  }
0x3: {  	_ = 	snop  }
0x4: {  	_ = 	snop  }
0x5: {  	_ = 	snop  }
0x6: {  	_ = 	snop  }
0x7: {  	_ = 	snop  }
__scs_overlays_trampoline_lowered:
0x8: {  	[smem:$0x3FA5] =	sst s0  }
0x9: {  	[smem:$0x3FA6] =	sst s1  }
0xa: {  	[smem:$0x3FA7] =	sst s2  }
0xb: {  	[smem:$0x3FA8] =	sst s3  }
0xc: {  	[smem:$0x3FA9] =	sst s4  }
0xd: {  	[smem:$0x3FAA] =	sst s5  }
0xe: {  	[smem:$0x3FAB] =	sst s6  }
0xf: {  	[smem:$0x3FAC] =	sst s7  }
0x10: {  	[smem:$0x3FAD] =	sst s8  }
0x11: {  	[smem:$0x3FAE] =	sst s9;
	s0 =	simm.s32 @!p0 $0x0  }
0x12: {  	s1 =	sld [smem:$0x3F94];
	s0 =	simm.s32 @p0 $0x1  }
0x13: {  	[smem:$0x3FAF] =	sst s0;
	s0 =	simm.s32 @!p1 $0x0  }
0x14: {  	s2 =	sld [smem:$0x3F93];
	s0 =	simm.s32 @p1 $0x1  }
0x15: {  	[smem:$0x3FB0] =	sst s0;
	s0 =	simm.s32 @!p2 $0x0  }
0x16: {  	s3 =	sld [smem:$0x3FDB];
	s0 =	simm.s32 @p2 $0x1  }
0x17: {  	s4 =	simm.s32 $0x1BF5;
	[smem:$0x3FB2] =	sst s0  }
0x18: {  	s0 =	sld [smem:$0x3F95];
	_ =	swait.ge [sflag:s4], $0x0  }
0x19: {  	s7 =	sld [smem:$0x3F96]  }
0x1a: {  	s8 =	sadd.s32 $0xFFFFE003, lr  }
0x1b: {  	s9 =	sadd.s32 $0xFFFFFEF7, lr;
	s5 =	simm.s32 $0xFFFFFFFF;
	p2 =	slt.u32 s8, $0xFFFFF086  }
0x1c: {  	p1 =	slt.u32 s9, $0xF7A;
	s5 =	simm.s32 @!p2 $0x0  }
0x1d: {  	s5 =	simm.s32 @p1 $0x1;
	p0 =	seq.s32 s7, s2  }
0x1e: {  	s7 =	smul.u32 @!p0 $0xF7A, s2;
	p2 =	seq.s32 @!p0 s5, $0x0  }
0x1f: {  	s9 =	smul.u32 $0xF7A, s1;
	s8 =	simm.s32 @!p0 $0x1BF5;
	p2 =	por !p2, p0  }
0x20: {  	[sflag:s8] =	ssyncset.s32 @!p0 $0xFFFFF086;
	s6 =	sadd.s32 @!p0 s3, s7;
	s7 =	simm.s32 @!p0 $0x108  }
0x21: {  	s3 =	sadd.s32 s3, s9;
	s6 =	sadd.s32 @!p0 $0x88, s6;
	s7 =	simm.s32 @p2 $0x1082  }
0x22: {  	[simem:s7], [sflag:s8] =	dma.local @!p0 [hbm:s6], $0xF7A  }
0x23: {  	s9 =	sor.u32 $0xD0000000, s2;
	s6 =	simm.s32 $0x108;
	_ =	swait.ge @!p0 [sflag:s8], $0x0  }
0x24: {  	s3 =	sadd.s32 $0x88, s3;
	s6 =	simm.s32 @!p1 $0x1082;
	[sflag:s4] =	ssyncset.s32 $0xFFFFF086  }
0x25: {  	[simem:s6], [sflag:s4] =	dma.local [hbm:s3], $0xF7A  }
0x26: {  	[smem:$0x3F96] =	sst s1;
	(tag) =	ssettag s2;
	_ =	strace s9  }
0x27: {  	s1 =	sld [smem:$0x3FA6]  }
0x28: {  	s2 =	sld [smem:$0x3FA7]  }
0x29: {  	s4 =	sld [smem:$0x3FA9]  }
0x2a: {  	p0 =	seq.s32 s5, $0x0;
	s5 =	sld [smem:$0x3FAA]  }
0x2b: {  	s6 =	sld [smem:$0x3FAB]  }
0x2c: {  	s7 =	sld [smem:$0x3FAC]  }
0x2d: {  	s3 =	simm.s32 $0x108;
	s8 =	sld [smem:$0x3FAD]  }
0x2e: {  	s3 =	simm.s32 @!p0 $0x1082;
	s9 =	sld [smem:$0x3FAE]  }
0x2f: {  	lr =	sadd.s32 s0, s3;
	s0 =	sld [smem:$0x3FA5]  }
0x30: {  	s3 =	sld [smem:$0x3FA8]  }
0x31: {  	[smem:$0x3FB1] =	sst s10  }
0x32: {  	s10 =	sld [smem:$0x3FAF];
	_ =	sdelay $0x3  }
0x33: {  	p0 =	seq.s32 s10, $0x1;
	s10 =	sld [smem:$0x3FB1];
	_ =	sdelay $0x3  }
0x34: {  	[smem:$0x3FB1] =	sst s10  }
0x35: {  	s10 =	sld [smem:$0x3FB0];
	_ =	sdelay $0x3  }
0x36: {  	p1 =	seq.s32 s10, $0x1;
	s10 =	sld [smem:$0x3FB1];
	_ =	sdelay $0x3  }
0x37: {  	[smem:$0x3FB1] =	sst s10  }
0x38: {  	s10 =	sld [smem:$0x3FB2]  }
0x39: {  	_ = 	snop;
	(pc) =	sbr.ind lr, $3  }
0x3a: {  	_ = 	snop  }
0x3b: {  	_ = 	snop  }
0x3c: {  	p2 =	seq.s32 s10, $0x1;
	s10 =	sld [smem:$0x3FB1]  }
0x3d: {  	_ =	shalt  }
0x3e: {  	_ =	shalt  }
0x3f: {  	_ =	shalt  }
0x40: {  	_ =	shalt  }
0x41: {  	_ =	shalt  }
0x42: {  	_ =	shalt  }
0x43: {  	_ =	shalt  }
0x44: {  	_ =	shalt  }
0x45: {  	_ =	shalt  }
0x46: {  	_ =	shalt  }
0x47: {  	_ =	shalt  }
0x48: {  	_ =	shalt  }
0x49: {  	_ =	shalt  }
0x4a: {  	_ =	shalt  }
0x4b: {  	_ =	shalt  }
0x4c: {  	_ =	shalt  }
0x4d: {  	_ =	shalt  }
0x4e: {  	_ =	shalt  }
0x4f: {  	_ =	shalt  }
0x50: {  	_ =	shalt  }
0x51: {  	_ =	shalt  }
0x52: {  	_ =	shalt  }
0x53: {  	_ =	shalt  }
0x54: {  	_ =	shalt  }
0x55: {  	_ =	shalt  }
0x56: {  	_ =	shalt  }
0x57: {  	_ =	shalt  }
0x58: {  	_ =	shalt  }
0x59: {  	_ =	shalt  }
0x5a: {  	_ =	shalt  }
0x5b: {  	_ =	shalt  }
0x5c: {  	_ =	shalt  }
0x5d: {  	_ =	shalt  }
0x5e: {  	_ =	shalt  }
0x5f: {  	_ =	shalt  }
0x60: {  	_ =	shalt  }
0x61: {  	_ =	shalt  }
0x62: {  	_ =	shalt  }
0x63: {  	_ =	shalt  }
0x64: {  	_ =	shalt  }
0x65: {  	_ =	shalt  }
0x66: {  	_ =	shalt  }
0x67: {  	_ =	shalt  }
0x68: {  	_ =	shalt  }
0x69: {  	_ =	shalt  }
0x6a: {  	_ =	shalt  }
0x6b: {  	_ =	shalt  }
0x6c: {  	_ =	shalt  }
0x6d: {  	_ =	shalt  }
0x6e: {  	_ =	shalt  }
0x6f: {  	_ =	shalt  }
0x70: {  	_ =	shalt  }
0x71: {  	_ =	shalt  }
0x72: {  	_ =	shalt  }
0x73: {  	_ =	shalt  }
0x74: {  	_ =	shalt  }
0x75: {  	_ =	shalt  }
0x76: {  	_ =	shalt  }
0x77: {  	_ =	shalt  }
0x78: {  	_ =	shalt  }
0x79: {  	_ =	shalt  }
0x7a: {  	_ =	shalt  }
0x7b: {  	_ =	shalt  }
0x7c: {  	_ =	shalt  }
0x7d: {  	_ =	shalt  }
0x7e: {  	_ =	shalt  }
0x7f: {  	_ =	shalt  }
0x80: {  	_ =	shalt  }
0x81: {  	_ =	shalt  }
0x82: {  	_ =	shalt  }
0x83: {  	_ =	shalt  }
0x84: {  	_ =	shalt  }
0x85: {  	_ =	shalt  }
0x86: {  	_ =	shalt  }
0x87: {  	_ =	shalt  }
.Lfunc_end0:
.L_simem_size_0:
called_computation.1_lowered:
.L_overlay_start_0:
0x88: {  	s2 =	sld [smem:$0x3FD9]  }
0x89: {  	s3 =	sld [smem:$0x3FFE];
	_ =	sdelay $0x1  }
0x8a: {  	s1 =	srdreg.scid  }
0x8b: {  	s0 =	sand.u32 $0x1, s1  }
0x8c: {  	s16 =	sshll.u32 s0, $0xA;
	s2 =	sadd.s32 s3, s2  }
0x8d: {  	s2 =	sadd.s32 s2, s16  }
0x8e: {  	[smem:$0x3FBD] =	sst s2  }
0x8f: {  	_ = 	snop  }
0x90: {  	(tm) =	ssettm $0x1  }
0x91: {  	s17 =	sld [smem:$0x3FFB];
	_ =	sdelay $0x3  }
0x92: {  	_ =	strace s17  }
0x93: {  	s2 =	sld [smem:$0x3FFC];
	_ =	sdelay $0x3  }
0x94: {  	_ =	strace s2  }
0x95: {  	s2 =	sld [smem:$0x3FFD];
	_ =	sdelay $0x3  }
0x96: {  	_ =	strace s2  }
0x97: {  	_ =	strace $0x8FFFFFFF  }
0x98: {  	s18 =	sld [smem:$0x3FDB];
	_ =	sdelay $0x1  }
0x99: {  	s19 =	simm.s32 $_scs_section_size  }
0x9a: {  	s4 =	simm.s32 $_size__tile_overlayer_lowered;
	s5 =	simm.s32 $_tile_overlayer_lowered  }
0x9b: {  	s22 =	simm.s32 $0x1BFF;
	s21 =	sshll.u32 s5, $0x1;
	s2 =	sadd.s32 s19, s18  }
0x9c: {  	s6 =	simm.s32 $0x0;
	s20 =	sshll.u32 s4, $0x1;
	s4 =	sadd.s32 s21, s2  }
0x9d: {  	[timem:s6], [sflag:s22] =	dma.local [hbm:s4], s20  }
0x9e: {  	_ =	swait.ge [sflag:s22], s20  }
0x9f: {  	s3 =	ssub.s32 $0x0, s20;
	[sflag:s22] =	ssyncset.done $0x0  }
0xa0: {  	[sflag:s22] =	ssyncadd.s32 s3;
	_ =	sdelay $0x1  }
0xa1: {  	s23 =	simm.s32 $0x1B8B  }
0xa2: {  	_ =	swait.ge [sflag:s23], $0x1  }
0xa3: {  	[sflag:s23] =	ssyncset.done $0x0  }
0xa4: {  	s25 =	simm.s32 $0x1B8E;
	s24 =	sld [smem:$0x3FFE];
	[sflag:s23] =	ssyncadd.s32 $0xFFFFFFFF  }
0xa5: {  	s26 =	simm.s32 $execute0_lowered;
	[smem:$0x3FD2] =	sst s25  }
0xa6: {  	s4 =	sshll.u32 s26, $0x1;
	_ =	strace $0x80000049;
	[dreg:$0x1] =	wrdreg $0xFFFFFFFF  }
0xa7: {  	s28 =	simm.s32 $_size_execute0_lowered;
	s2 =	sadd.s32 s2, s4;
	[dreg:$0x0] =	wrdreg $0x0  }
0xa8: {  	s4 =	sshll.u32 s28, $0x1;
	[dreg:$0x2] =	wrdreg s2  }
0xa9: {  	[dreg:$0x3] =	wrdreg s4  }
0xaa: {  	[dreg:$0x4] =	wrdreg $0xC0  }
0xab: {  	_ =	task [dreg:s6], $0x5FFFF  }
0xac: {  	[dreg:$0x1] =	wrdreg $0xFFFFFFFF  }
0xad: {  	[dreg:$0x0] =	wrdreg $0x60  }
0xae: {  	[dreg:$0x2] =	wrdreg s24  }
0xaf: {  	[dreg:$0x3] =	wrdreg $0x90000  }
0xb0: {  	[dreg:$0x4] =	wrdreg $0x9  }
0xb1: {  	_ =	task.clear_ibuf [dreg:s6], $0x5FFFF;
	_ =	strace $0x90000049  }
0xb2: {  	s29 =	simm.s32 $0x9;
	_ =	strace $0x8000004B  }
0xb3: {  	_ =	swait.ge [sflag:s29], $0x1  }
0xb4: {  	[sflag:s29] =	ssyncadd.s32 $0xFFFFFFFF  }
0xb5: {  	_ =	strace $0x9000004B  }
0xb6: {  	_ =	sfence  }
0xb7: {  	s30 =	sld [smem:$0x0];
	_ =	sdelay $0x2  }
0xb8: {  	s31 =	sshll.u32 s1, $0xD;
	s1 =	sshrl.u32 s1, $0x2  }
0xb9: {  	s3 =	sand.u32 $0x4000, s31;
	s1 =	sadd.s32 s1, s30  }
0xba: {  	s0 =	sor.u32 s3, s0;
	s1 =	sshll.u32 s1, $0x11  }
0xbb: {  	s0 =	sor.u32 s1, s0  }
0xbc: {  	s0 =	sadd.s32 $0x8F2B, s0  }
0xbd: {  	[sflag:s0] =	ssyncadd.remote.s32 $0x1  }
0xbe: {  	_ =	sfence.sel $0xFFFF  }
0xbf: {  	[dreg:$0x0] =	wrdreg $0xFFFFFFFF;
	(pc) =	sbr.abs _section_cstart, $3  }
0xc0: {  	[dreg:$0x1] =	wrdreg $0xFFFFFFFF  }
0xc1: {  	_ =	task.clear_ibuf [dreg:s6], $0x2FFFF;
	_ =	strace $0x9FFFFFFF  }
0xc2: {  	(tm) =	ssettm $0x7FFFFFFF  }
0xc3: {  	_ =	shalt  }
tec
execute0_lowered:
.L_overlay_start_1:
0x0: {  	(tag) =	ssettag $0x1  }
0x1: {  	s4 =	rddreg [dreg:$0x0]  }
0x2: {  	s2 =	rddreg [dreg:$0x1];
	s3 =	srdreg.scid  }
0x3: {  	s0 =	rddreg [dreg:$0x2];
	s1 =	stileid.u32  }
0x4: {  	s19 =	simm.s32 $0x1;
	s20 =	simm.s32 $0x6800;
	s21 =	simm.s32 $0x50  }
0x5: {  	s22 =	simm.s32 $0x2;
	s23 =	simm.s32 $0x3E00;
	s26 =	smul.u32 $0x14000, s1  }
0x6: {  	s24 =	simm.s32 $0x0;
	s12 =	sand.u32 $0x1, s3;
	s28 =	smul.u32 $0x50000, s1  }
0x7: {  	s3 =	simm.s32 $0x0;
	s5 =	sshll.u32 s1, $0x1;
	s17 =	smul.u32 $0x4E200, s1  }
0x8: {  	s14 =	sadd.s32 $0x9E6800, s4;
	s6 =	smul.u32 $0x140000, s12;
	[smem:$0x7FF] =	sst s3  }
0x9: {  	s8 =	sor.u32 s12, s5;
	s9 =	ssub.s32 $0x2, s12;
	s18 =	smul.u32 $0x27100, s12  }
0xa: {  	_ =	strace $0x8000004A;
	s7 =	sshll.u32 s8, $0xB;
	s29 =	sshrl.u32 s9, $0x1  }
0xb: {  	s30 =	sshrl.u32 s28, $0x2;
	s13 =	smul.u32 $0x27100, s8;
	s17 =	sadd.s32 s17, s14  }
0xc: {  	s7 =	sadd.s32 s7, s4;
	s5 =	sadd.s32 s26, s6;
	s16 =	ssub.s32 s9, s29  }
0xd: {  	s31 =	sadd.s32 s18, s17;
	s17 =	simm.s32 $0x3;
	s5 =	sshrl.u32 s5, $0x3  }
0xe: {  	s18 =	simm.s32 $0x4000;
	s15 =	sadd.s32 s5, s4;
	s5 =	sadd.s32 s30, s2  }
0xf: {  	s13 =	sadd.s32 s14, s13;
	s4 =	sadd.s32 $0x2800, s7;
	s6 =	sadd.s32 $0x2800, s5  }
0x10: {  	s7 =	sadd.s32 $0x5000, s5;
	s8 =	sadd.s32 $0x7800, s5;
	s9 =	sadd.s32 $0xA000, s5  }
0x11: {  	s10 =	sadd.s32 $0xC800, s5;
	s11 =	sadd.s32 $0xF000, s5;
	s12 =	sadd.s32 $0x11800, s5  }
0x12: {  	v0 =	vimm.f32 $0.0e+00;
	s14 =	sadd.s32 $0x12800, s15;
	s15 =	smax.u32 s16, $0x1;
	s16 =	sadd.s32 $0xA00, s31  }
.LBB2_1:
0x13: {  	[tilespmem:s3], [sflag:$0x3] =	stream.linear.gather [hbm4b:s4+s3], $0x3E80, $0x38;
	[tilespmem:$0x1D000] =	vst v63  }
0x14: {  	_ =	swait.ge [sflag:s17], $0x3E80  }
0x15: {  	[sflag:s17] =	ssyncset.done $0x0  }
0x16: {  	s25 =	simm.s32 $0x0;
	s26 =	simm.s32 $0x200;
	[sflag:s17] =	ssyncadd.s32 $0xFFFFC180  }
.LBB2_2:
0x17: {  	p0 =	sne.s32 s26, $0x9E00;
	[tilespmem:s25+$0x4070] =	vst v0  }
0x18: {  	[tilespmem:s25+$0x4000] =	vst v0  }
0x19: {  	[tilespmem:s25+$0x4010] =	vst v0  }
.Ltmp0:
0x1a: {  	[tilespmem:s25+$0x4020] =	vst v0;
	(pc) =	sbr.rel @p0 .LBB2_2-.Ltmp0, $4  }
0x1b: {  	[tilespmem:s25+$0x4030] =	vst v0  }
0x1c: {  	[tilespmem:s25+$0x4040] =	vst v0  }
0x1d: {  	[tilespmem:s25+$0x4050] =	vst v0  }
0x1e: {  	[tilespmem:s25+$0x4060] =	vst v0;
	s25 =	sshra.s32 s26, $0x2;
	s26 =	sadd.s32 $0x200, s26  }
0x1f: {  	[tilespmem:s25+$0x4070] =	vst v0  }
0x20: {  	[tilespmem:s25+$0x4000] =	vst v0  }
0x21: {  	[tilespmem:s25+$0x4010] =	vst v0  }
0x22: {  	[tilespmem:s25+$0x4020] =	vst v0  }
0x23: {  	[tilespmem:s25+$0x4030] =	vst v0  }
0x24: {  	[tilespmem:s25+$0x4040] =	vst v0  }
0x25: {  	[tilespmem:s25+$0x4050] =	vst v0  }
0x26: {  	[tilespmem:s25+$0x4060] =	vst v0  }
0x27: {  	[spmem:s5] =	stream.linear.scatter [tilespmem:s18], [sflag:$0x3], $0x2800, $0x38;
	[tilespmem:$0x1D000] =	vst v63  }
0x28: {  	_ =	swait.ge [sflag:s17], $0x2800  }
0x29: {  	[sflag:s17] =	ssyncset.done $0x0  }
0x2a: {  	[sflag:s17] =	ssyncadd.s32 $0xFFFFD800  }
0x2b: {  	[spmem:s6] =	stream.linear.scatter [tilespmem:s18], [sflag:$0x3], $0x2800, $0x38;
	[tilespmem:$0x1D000] =	vst v63  }
0x2c: {  	_ =	swait.ge [sflag:s17], $0x2800  }
0x2d: {  	[sflag:s17] =	ssyncset.done $0x0  }
0x2e: {  	[sflag:s17] =	ssyncadd.s32 $0xFFFFD800  }
0x2f: {  	[spmem:s7] =	stream.linear.scatter [tilespmem:s18], [sflag:$0x3], $0x2800, $0x38;
	[tilespmem:$0x1D000] =	vst v63  }
0x30: {  	_ =	swait.ge [sflag:s17], $0x2800  }
0x31: {  	[sflag:s17] =	ssyncset.done $0x0  }
0x32: {  	[sflag:s17] =	ssyncadd.s32 $0xFFFFD800  }
0x33: {  	[spmem:s8] =	stream.linear.scatter [tilespmem:s18], [sflag:$0x3], $0x2800, $0x38;
	[tilespmem:$0x1D000] =	vst v63  }
0x34: {  	_ =	swait.ge [sflag:s17], $0x2800  }
0x35: {  	[sflag:s17] =	ssyncset.done $0x0  }
0x36: {  	[sflag:s17] =	ssyncadd.s32 $0xFFFFD800  }
0x37: {  	[spmem:s9] =	stream.linear.scatter [tilespmem:s18], [sflag:$0x3], $0x2800, $0x38;
	[tilespmem:$0x1D000] =	vst v63  }
0x38: {  	_ =	swait.ge [sflag:s17], $0x2800  }
0x39: {  	[sflag:s17] =	ssyncset.done $0x0  }
0x3a: {  	[sflag:s17] =	ssyncadd.s32 $0xFFFFD800  }
0x3b: {  	[spmem:s10] =	stream.linear.scatter [tilespmem:s18], [sflag:$0x3], $0x2800, $0x38;
	[tilespmem:$0x1D000] =	vst v63  }
0x3c: {  	_ =	swait.ge [sflag:s17], $0x2800  }
0x3d: {  	[sflag:s17] =	ssyncset.done $0x0  }
0x3e: {  	[sflag:s17] =	ssyncadd.s32 $0xFFFFD800  }
0x3f: {  	[spmem:s11] =	stream.linear.scatter [tilespmem:s18], [sflag:$0x3], $0x2800, $0x38;
	[tilespmem:$0x1D000] =	vst v63  }
0x40: {  	_ =	swait.ge [sflag:s17], $0x2800  }
0x41: {  	[sflag:s17] =	ssyncset.done $0x0  }
0x42: {  	[sflag:s17] =	ssyncadd.s32 $0xFFFFD800  }
0x43: {  	[spmem:s12] =	stream.linear.scatter [tilespmem:s18], [sflag:$0x3], $0x2800, $0x38;
	[tilespmem:$0x1D000] =	vst v63  }
0x44: {  	_ =	swait.ge [sflag:s17], $0x2800  }
0x45: {  	[sflag:s17] =	ssyncset.done $0x0  }
0x46: {  	[sflag:s17] =	ssyncadd.s32 $0xFFFFD800  }
0x47: {  	s28 =	simm.s32 $0x0;
	[bflag:$0x0] =	sbarrier.arrive $0xFFFF  }
0x48: {  	[tilespmem:s18], [sflag:$0x1] =	stream.linear.gather [hbm4b:s13+s28], $0x2800, $0x38;
	[tilespmem:$0x1D000] =	vst v63  }
0x49: {  	_ =	swait.ge [sflag:s19], $0x2800  }
0x4a: {  	[sflag:s19] =	ssyncset.done $0x0  }
0x4b: {  	s29 =	sadd.s32 $0xFFFFFB00, s16;
	[sflag:s19] =	ssyncadd.s32 $0xFFFFD800  }
0x4c: {  	[tilespmem:s20], [sflag:$0x2] =	stream.linear.gather [hbm4b:s29+s3], $0x2800, $0x38;
	[tilespmem:$0x1D000] =	vst v63  }
0x4d: {  	s30 =	simm.s32 $0x0  }
0x4e: {  	[spmem:s2] =	stream.indirect.scatter.add.f32 [tilespmem:s18], [sflag:$0x3], $0x80, s30, s21, $0xb8;
	[tilespmem:$0x1D000] =	vst v63  }
0x4f: {  	_ =	swait.ge [sflag:s17], $0x2800  }
0x50: {  	[sflag:s17] =	ssyncset.done $0x0  }
0x51: {  	[sflag:s17] =	ssyncadd.s32 $0xFFFFD800  }
0x52: {  	[tilespmem:s18], [sflag:$0x1] =	stream.linear.gather [hbm4b:s16+s3], $0x2800, $0x38;
	[tilespmem:$0x1D000] =	vst v63  }
0x53: {  	_ =	swait.ge [sflag:s22], $0x2800  }
0x54: {  	[sflag:s22] =	ssyncset.done $0x0  }
0x55: {  	s31 =	simm.s32 $0x80;
	[sflag:s22] =	ssyncadd.s32 $0xFFFFD800  }
0x56: {  	[spmem:s2] =	stream.indirect.scatter.add.f32 [tilespmem:s20], [sflag:$0x3], $0x80, s31, s21, $0xb8;
	[tilespmem:$0x1D000] =	vst v63  }
0x57: {  	_ =	swait.ge [sflag:s17], $0x2800  }
0x58: {  	s25 =	simm.s32 $0x400;
	s26 =	smov.u32 s16;
	[sflag:s17] =	ssyncset.done $0x0  }
.LBB2_4:
0x59: {  	p0 =	sne.s32 s25, $0xF400;
	[sflag:s17] =	ssyncadd.s32 $0xFFFFD800;
	s26 =	sadd.s32 $0xA00, s26  }
0x5a: {  	s28 =	smov.u32 s25;
	s25 =	sadd.s32 $0x400, s25;
	_ =	swait.ge [sflag:s19], $0x2800  }
0x5b: {  	[sflag:s19] =	ssyncset.done $0x0  }
0x5c: {  	s29 =	sadd.s32 $0xFFFFFB00, s26;
	[sflag:s19] =	ssyncadd.s32 $0xFFFFD800  }
0x5d: {  	[tilespmem:s20], [sflag:$0x2] =	stream.linear.gather [hbm4b:s29+s3], $0x2800, $0x38;
	[tilespmem:$0x1D000] =	vst v63  }
0x5e: {  	s28 =	sshra.s32 s28, $0x2  }
0x5f: {  	[spmem:s2] =	stream.indirect.scatter.add.f32 [tilespmem:s18], [sflag:$0x3], $0x80, s28, s21, $0xb8;
	[tilespmem:$0x1D000] =	vst v63  }
0x60: {  	_ =	swait.ge [sflag:s17], $0x2800  }
0x61: {  	[sflag:s17] =	ssyncset.done $0x0  }
0x62: {  	[sflag:s17] =	ssyncadd.s32 $0xFFFFD800  }
0x63: {  	[tilespmem:s18], [sflag:$0x1] =	stream.linear.gather [hbm4b:s26+s3], $0x2800, $0x38;
	[tilespmem:$0x1D000] =	vst v63  }
0x64: {  	_ =	swait.ge [sflag:s22], $0x2800  }
.Ltmp1:
0x65: {  	[sflag:s22] =	ssyncset.done $0x0;
	(pc) =	sbr.rel @p0 .LBB2_4-.Ltmp1, $4  }
0x66: {  	s28 =	sadd.s32 $0x80, s28;
	[sflag:s22] =	ssyncadd.s32 $0xFFFFD800  }
0x67: {  	[spmem:s2] =	stream.indirect.scatter.add.f32 [tilespmem:s20], [sflag:$0x3], $0x80, s28, s21, $0xb8;
	[tilespmem:$0x1D000] =	vst v63  }
0x68: {  	_ =	swait.ge [sflag:s17], $0x2800  }
0x69: {  	[sflag:s17] =	ssyncset.done $0x0  }
0x6a: {  	[sflag:s17] =	ssyncadd.s32 $0xFFFFD800  }
0x6b: {  	_ =	swait.ge [sflag:s19], $0x2800  }
0x6c: {  	[sflag:s19] =	ssyncset.done $0x0  }
0x6d: {  	[sflag:s19] =	ssyncadd.s32 $0xFFFFD800  }
0x6e: {  	[spmem:s2] =	stream.indirect.scatter.add.f32 [tilespmem:s18], [sflag:$0x3], $0x80, s23, s21, $0xb8;
	[tilespmem:$0x1D000] =	vst v63  }
0x6f: {  	_ =	swait.ge [sflag:s17], $0x2800  }
0x70: {  	s25 =	sshll.u32 s1, $0x6;
	s24 =	sadd.s32 $0x1, s24;
	[sflag:s17] =	ssyncset.done $0x0  }
0x71: {  	s26 =	sshrl.u32 s5, $0x3;
	p0 =	sne.s32 s24, s15;
	[sflag:s17] =	ssyncadd.s32 $0xFFFFD800  }
.Ltmp2:
0x72: {  	s25 =	sor.u32 $0x1C03, s25;
	[bflag:$0x0] =	sbarrier.arrive $0xFFFF;
	(pc) =	sbr.rel @p0 .LBB2_1-.Ltmp2, $4  }
0x73: {  	[hbm:s14], [sflag:s25] =	dma.local [spmem:s26], $0x2800  }
0x74: {  	_ =	swait.ge [sflag:s17], $0x2800  }
0x75: {  	[sflag:s17] =	ssyncset.done $0x0  }
0x76: {  	[sflag:s17] =	ssyncadd.s32 $0xFFFFD800  }
0x77: {  	_ =	sfence.sel $0x180000  }
0x78: {  	[bflag:$0x0] =	sbarrier.arrive $0xFFFF  }
0x79: {  	p0 =	sne.s32 s1, $0x0;
	_ =	strace $0x9000004A  }
0x7a: {  	s0 =	sadd.s32 @!p0 $0x100000, s0;
	[bflag:$0x2] =	sbarrier.arrive $0xFFFF  }
0x7b: {  	[sflag:s0] =	ssyncadd.tile.s32 @!p0 $0x1;
	_ =	shalt  }
.Lfunc_end2:
_tile_overlayer_lowered:
.L_overlay_start_2:
0x7c: {  	(tag) =	ssettag $0x2  }
0x7d: {  	s0 =	rddreg [dreg:$0x0];
	s2 =	stileid.u32  }
0x7e: {  	s1 =	rddreg [dreg:$0x1];
	p0 =	sne.s32 s2, $0x0  }
0x7f: {  	s3 =	rddreg [dreg:$0x2];
	[bflag:$0x3] =	sbarrier.arrive $0xFFFF;
	s2 =	simm.s32 @!p0 $0x1C03  }
0x80: {  	[timem:s3], [sflag:s2] =	dma.local @!p0 [hbm:s0], s1  }
0x81: {  	s0 =	simm.s32 @!p0 $0x3  }
0x82: {  	_ =	swait.ge @!p0 [sflag:s0], s1  }
0x83: {  	s1 =	ssub.s32 @!p0 $0x0, s1;
	[sflag:s0] =	ssyncset.done @!p0 $0x0  }
0x84: {  	[sflag:s0] =	ssyncadd.s32 @!p0 s1  }
0x85: {  	[bflag:$0x3] =	sbarrier.arrive $0xFFFF  }
0x86: {  	_ =	shalt  }

// kernel: kernel.7.cloned.1.call-start
scs
__scs_entry_jumppad:
0x0: {  	(pc) =	sbr.rel $0x88, $3  }
0x1: {  	(tag) =	ssettag $0x0;
	lr =	simm.s32 $0x1  }
0x2: {  	[smem:$0x3F96] =	sst lr;
	_ =	strace $0xD0000000  }
0x3: {  	_ = 	snop  }
0x4: {  	_ = 	snop  }
0x5: {  	_ = 	snop  }
0x6: {  	_ = 	snop  }
0x7: {  	_ = 	snop  }
__scs_overlays_trampoline_lowered:
0x8: {  	[smem:$0x3FA5] =	sst s0  }
0x9: {  	[smem:$0x3FA6] =	sst s1  }
0xa: {  	[smem:$0x3FA7] =	sst s2  }
0xb: {  	[smem:$0x3FA8] =	sst s3  }
0xc: {  	[smem:$0x3FA9] =	sst s4  }
0xd: {  	[smem:$0x3FAA] =	sst s5  }
0xe: {  	[smem:$0x3FAB] =	sst s6  }
0xf: {  	[smem:$0x3FAC] =	sst s7  }
0x10: {  	[smem:$0x3FAD] =	sst s8  }
0x11: {  	[smem:$0x3FAE] =	sst s9;
	s0 =	simm.s32 @!p0 $0x0  }
0x12: {  	s1 =	sld [smem:$0x3F94];
	s0 =	simm.s32 @p0 $0x1  }
0x13: {  	[smem:$0x3FAF] =	sst s0;
	s0 =	simm.s32 @!p1 $0x0  }
0x14: {  	s2 =	sld [smem:$0x3F93];
	s0 =	simm.s32 @p1 $0x1  }
0x15: {  	[smem:$0x3FB0] =	sst s0;
	s0 =	simm.s32 @!p2 $0x0  }
0x16: {  	s3 =	sld [smem:$0x3FDB];
	s0 =	simm.s32 @p2 $0x1  }
0x17: {  	s4 =	simm.s32 $0x1BF5;
	[smem:$0x3FB2] =	sst s0  }
0x18: {  	s0 =	sld [smem:$0x3F95];
	_ =	swait.ge [sflag:s4], $0x0  }
0x19: {  	s7 =	sld [smem:$0x3F96]  }
0x1a: {  	s8 =	sadd.s32 $0xFFFFE003, lr  }
0x1b: {  	s9 =	sadd.s32 $0xFFFFFEF7, lr;
	s5 =	simm.s32 $0xFFFFFFFF;
	p2 =	slt.u32 s8, $0xFFFFF086  }
0x1c: {  	p1 =	slt.u32 s9, $0xF7A;
	s5 =	simm.s32 @!p2 $0x0  }
0x1d: {  	s5 =	simm.s32 @p1 $0x1;
	p0 =	seq.s32 s7, s2  }
0x1e: {  	s7 =	smul.u32 @!p0 $0xF7A, s2;
	p2 =	seq.s32 @!p0 s5, $0x0  }
0x1f: {  	s9 =	smul.u32 $0xF7A, s1;
	s8 =	simm.s32 @!p0 $0x1BF5;
	p2 =	por !p2, p0  }
0x20: {  	[sflag:s8] =	ssyncset.s32 @!p0 $0xFFFFF086;
	s6 =	sadd.s32 @!p0 s3, s7;
	s7 =	simm.s32 @!p0 $0x108  }
0x21: {  	s3 =	sadd.s32 s3, s9;
	s6 =	sadd.s32 @!p0 $0x88, s6;
	s7 =	simm.s32 @p2 $0x1082  }
0x22: {  	[simem:s7], [sflag:s8] =	dma.local @!p0 [hbm:s6], $0xF7A  }
0x23: {  	s9 =	sor.u32 $0xD0000000, s2;
	s6 =	simm.s32 $0x108;
	_ =	swait.ge @!p0 [sflag:s8], $0x0  }
0x24: {  	s3 =	sadd.s32 $0x88, s3;
	s6 =	simm.s32 @!p1 $0x1082;
	[sflag:s4] =	ssyncset.s32 $0xFFFFF086  }
0x25: {  	[simem:s6], [sflag:s4] =	dma.local [hbm:s3], $0xF7A  }
0x26: {  	[smem:$0x3F96] =	sst s1;
	(tag) =	ssettag s2;
	_ =	strace s9  }
0x27: {  	s1 =	sld [smem:$0x3FA6]  }
0x28: {  	s2 =	sld [smem:$0x3FA7]  }
0x29: {  	s4 =	sld [smem:$0x3FA9]  }
0x2a: {  	p0 =	seq.s32 s5, $0x0;
	s5 =	sld [smem:$0x3FAA]  }
0x2b: {  	s6 =	sld [smem:$0x3FAB]  }
0x2c: {  	s7 =	sld [smem:$0x3FAC]  }
0x2d: {  	s3 =	simm.s32 $0x108;
	s8 =	sld [smem:$0x3FAD]  }
0x2e: {  	s3 =	simm.s32 @!p0 $0x1082;
	s9 =	sld [smem:$0x3FAE]  }
0x2f: {  	lr =	sadd.s32 s0, s3;
	s0 =	sld [smem:$0x3FA5]  }
0x30: {  	s3 =	sld [smem:$0x3FA8]  }
0x31: {  	[smem:$0x3FB1] =	sst s10  }
0x32: {  	s10 =	sld [smem:$0x3FAF];
	_ =	sdelay $0x3  }
0x33: {  	p0 =	seq.s32 s10, $0x1;
	s10 =	sld [smem:$0x3FB1];
	_ =	sdelay $0x3  }
0x34: {  	[smem:$0x3FB1] =	sst s10  }
0x35: {  	s10 =	sld [smem:$0x3FB0];
	_ =	sdelay $0x3  }
0x36: {  	p1 =	seq.s32 s10, $0x1;
	s10 =	sld [smem:$0x3FB1];
	_ =	sdelay $0x3  }
0x37: {  	[smem:$0x3FB1] =	sst s10  }
0x38: {  	s10 =	sld [smem:$0x3FB2]  }
0x39: {  	_ = 	snop;
	(pc) =	sbr.ind lr, $3  }
0x3a: {  	_ = 	snop  }
0x3b: {  	_ = 	snop  }
0x3c: {  	p2 =	seq.s32 s10, $0x1;
	s10 =	sld [smem:$0x3FB1]  }
0x3d: {  	_ =	shalt  }
0x3e: {  	_ =	shalt  }
0x3f: {  	_ =	shalt  }
0x40: {  	_ =	shalt  }
0x41: {  	_ =	shalt  }
0x42: {  	_ =	shalt  }
0x43: {  	_ =	shalt  }
0x44: {  	_ =	shalt  }
0x45: {  	_ =	shalt  }
0x46: {  	_ =	shalt  }
0x47: {  	_ =	shalt  }
0x48: {  	_ =	shalt  }
0x49: {  	_ =	shalt  }
0x4a: {  	_ =	shalt  }
0x4b: {  	_ =	shalt  }
0x4c: {  	_ =	shalt  }
0x4d: {  	_ =	shalt  }
0x4e: {  	_ =	shalt  }
0x4f: {  	_ =	shalt  }
0x50: {  	_ =	shalt  }
0x51: {  	_ =	shalt  }
0x52: {  	_ =	shalt  }
0x53: {  	_ =	shalt  }
0x54: {  	_ =	shalt  }
0x55: {  	_ =	shalt  }
0x56: {  	_ =	shalt  }
0x57: {  	_ =	shalt  }
0x58: {  	_ =	shalt  }
0x59: {  	_ =	shalt  }
0x5a: {  	_ =	shalt  }
0x5b: {  	_ =	shalt  }
0x5c: {  	_ =	shalt  }
0x5d: {  	_ =	shalt  }
0x5e: {  	_ =	shalt  }
0x5f: {  	_ =	shalt  }
0x60: {  	_ =	shalt  }
0x61: {  	_ =	shalt  }
0x62: {  	_ =	shalt  }
0x63: {  	_ =	shalt  }
0x64: {  	_ =	shalt  }
0x65: {  	_ =	shalt  }
0x66: {  	_ =	shalt  }
0x67: {  	_ =	shalt  }
0x68: {  	_ =	shalt  }
0x69: {  	_ =	shalt  }
0x6a: {  	_ =	shalt  }
0x6b: {  	_ =	shalt  }
0x6c: {  	_ =	shalt  }
0x6d: {  	_ =	shalt  }
0x6e: {  	_ =	shalt  }
0x6f: {  	_ =	shalt  }
0x70: {  	_ =	shalt  }
0x71: {  	_ =	shalt  }
0x72: {  	_ =	shalt  }
0x73: {  	_ =	shalt  }
0x74: {  	_ =	shalt  }
0x75: {  	_ =	shalt  }
0x76: {  	_ =	shalt  }
0x77: {  	_ =	shalt  }
0x78: {  	_ =	shalt  }
0x79: {  	_ =	shalt  }
0x7a: {  	_ =	shalt  }
0x7b: {  	_ =	shalt  }
0x7c: {  	_ =	shalt  }
0x7d: {  	_ =	shalt  }
0x7e: {  	_ =	shalt  }
0x7f: {  	_ =	shalt  }
0x80: {  	_ =	shalt  }
0x81: {  	_ =	shalt  }
0x82: {  	_ =	shalt  }
0x83: {  	_ =	shalt  }
0x84: {  	_ =	shalt  }
0x85: {  	_ =	shalt  }
0x86: {  	_ =	shalt  }
0x87: {  	_ =	shalt  }
.Lfunc_end0:
.L_simem_size_0:
called_computation_lowered:
.L_overlay_start_0:
0x88: {  	s2 =	sld [smem:$0x3FD9]  }
0x89: {  	s3 =	sld [smem:$0x3FFE];
	_ =	sdelay $0x1  }
0x8a: {  	s1 =	srdreg.scid  }
0x8b: {  	s0 =	sand.u32 $0x1, s1  }
0x8c: {  	s14 =	sshll.u32 s0, $0xA;
	s2 =	sadd.s32 s3, s2  }
0x8d: {  	s2 =	sadd.s32 s2, s14  }
0x8e: {  	[smem:$0x3FBD] =	sst s2  }
0x8f: {  	_ = 	snop  }
0x90: {  	s2 =	sld [smem:$0x3FD0];
	_ =	sdelay $0x2  }
0x91: {  	s15 =	simm.s32 $0xA;
	s4 =	simm.s32 $0x10  }
0x92: {  	[smem:s4], [sflag:s15] =	dma.local [hbm:s2], $0x1  }
0x93: {  	_ =	swait.eq [sflag:s15], $0x1  }
0x94: {  	[sflag:s15] =	ssyncset.done $0x0  }
0x95: {  	s16 =	sld [smem:$0x10];
	[sflag:s15] =	ssyncadd.s32 $0xFFFFFFFF  }
0x96: {  	s17 =	sld [smem:$0x11];
	(tm) =	ssettm $0x1  }
0x97: {  	s18 =	sld [smem:$0x3FFB];
	_ =	sdelay $0x3  }
0x98: {  	_ =	strace s18  }
0x99: {  	s4 =	sld [smem:$0x3FFC];
	_ =	sdelay $0x3  }
0x9a: {  	_ =	strace s4  }
0x9b: {  	s4 =	sld [smem:$0x3FFD];
	_ =	sdelay $0x3  }
0x9c: {  	_ =	strace s4  }
0x9d: {  	_ =	strace $0x8FFFFFFF  }
0x9e: {  	s19 =	sld [smem:$0x3FDB];
	_ =	sdelay $0x1  }
0x9f: {  	s5 =	simm.s32 $_scs_section_size  }
0xa0: {  	s6 =	simm.s32 $_size__tile_overlayer_lowered;
	s7 =	simm.s32 $_tile_overlayer_lowered  }
0xa1: {  	s22 =	simm.s32 $0x1BFF;
	s21 =	sshll.u32 s7, $0x1;
	s4 =	sadd.s32 s5, s19  }
0xa2: {  	s8 =	simm.s32 $0x0;
	s20 =	sshll.u32 s6, $0x1;
	s6 =	sadd.s32 s21, s4  }
0xa3: {  	[timem:s8], [sflag:s22] =	dma.local [hbm:s6], s20  }
0xa4: {  	_ =	swait.ge [sflag:s22], s20  }
0xa5: {  	s5 =	ssub.s32 $0x0, s20;
	[sflag:s22] =	ssyncset.done $0x0  }
0xa6: {  	[sflag:s22] =	ssyncadd.s32 s5;
	_ =	sdelay $0x1  }
0xa7: {  	s23 =	simm.s32 $0x1B8B  }
0xa8: {  	_ =	swait.ge [sflag:s23], $0x1  }
0xa9: {  	[sflag:s23] =	ssyncset.done $0x0  }
0xaa: {  	s25 =	simm.s32 $0x1B8E;
	s24 =	sld [smem:$0x3FFE];
	[sflag:s23] =	ssyncadd.s32 $0xFFFFFFFF  }
0xab: {  	s26 =	simm.s32 $execute0_lowered;
	[smem:$0x3FD2] =	sst s25  }
0xac: {  	s6 =	sshll.u32 s26, $0x1;
	_ =	strace $0x80000046;
	[dreg:$0x1] =	wrdreg $0xFFFFFFFF  }
0xad: {  	s28 =	simm.s32 $_size_execute0_lowered;
	s4 =	sadd.s32 s4, s6;
	[dreg:$0x0] =	wrdreg $0x0  }
0xae: {  	s6 =	sshll.u32 s28, $0x1;
	[dreg:$0x2] =	wrdreg s4  }
0xaf: {  	[dreg:$0x3] =	wrdreg s6  }
0xb0: {  	[dreg:$0x4] =	wrdreg $0xC0  }
0xb1: {  	_ =	task [dreg:s8], $0x5FFFF  }
0xb2: {  	[dreg:$0x1] =	wrdreg $0xFFFFFFFF  }
0xb3: {  	[dreg:$0x0] =	wrdreg $0x60  }
0xb4: {  	[dreg:$0x2] =	wrdreg s24  }
0xb5: {  	[dreg:$0x3] =	wrdreg s16  }
0xb6: {  	[dreg:$0x4] =	wrdreg s17  }
0xb7: {  	[dreg:$0x5] =	wrdreg $0x9  }
0xb8: {  	_ =	task.clear_ibuf [dreg:s8], $0x6FFFF;
	_ =	strace $0x90000046  }
0xb9: {  	s29 =	simm.s32 $0x9;
	_ =	strace $0x80000048  }
0xba: {  	_ =	swait.ge [sflag:s29], $0x1  }
0xbb: {  	[sflag:s29] =	ssyncadd.s32 $0xFFFFFFFF  }
0xbc: {  	_ =	strace $0x90000048  }
0xbd: {  	_ =	sfence  }
0xbe: {  	s30 =	sld [smem:$0x0];
	_ =	sdelay $0x2  }
0xbf: {  	s31 =	sshll.u32 s1, $0xD;
	s1 =	sshrl.u32 s1, $0x2  }
0xc0: {  	s3 =	sand.u32 $0x4000, s31;
	s1 =	sadd.s32 s1, s30  }
0xc1: {  	s0 =	sor.u32 s3, s0;
	s1 =	sshll.u32 s1, $0x11  }
0xc2: {  	s0 =	sor.u32 s1, s0  }
0xc3: {  	s0 =	sadd.s32 $0x8F2B, s0  }
0xc4: {  	[sflag:s0] =	ssyncadd.remote.s32 $0x1  }
0xc5: {  	_ =	sfence.sel $0xFFFF  }
0xc6: {  	[dreg:$0x0] =	wrdreg $0xFFFFFFFF;
	(pc) =	sbr.abs _section_cstart, $3  }
0xc7: {  	[dreg:$0x1] =	wrdreg $0xFFFFFFFF  }
0xc8: {  	_ =	task.clear_ibuf [dreg:s8], $0x2FFFF;
	_ =	strace $0x9FFFFFFF  }
0xc9: {  	(tm) =	ssettm $0x7FFFFFFF  }
tec
execute0_lowered:
.L_overlay_start_1:
0x0: {  	(tag) =	ssettag $0x1  }
0x1: {  	s5 =	rddreg [dreg:$0x0]  }
0x2: {  	s1 =	rddreg [dreg:$0x1]  }
0x3: {  	s3 =	rddreg [dreg:$0x2]  }
0x4: {  	s0 =	rddreg [dreg:$0x3];
	s4 =	simm.s32 $0x0;
	s6 =	srdreg.scid  }
0x5: {  	s2 =	stileid.u32;
	s15 =	simm.s32 $0x8000;
	s16 =	simm.s32 $0xA800  }
0x6: {  	s17 =	simm.s32 $0x1;
	s18 =	simm.s32 $0xD000;
	s19 =	simm.s32 $0xF800  }
0x7: {  	s20 =	simm.s32 $0x2;
	s21 =	simm.s32 $0x3;
	s22 =	simm.s32 $0x4  }
0x8: {  	s23 =	simm.s32 $0x0;
	[smem:$0x7FF] =	sst s4;
	s8 =	sand.u32 $0x1, s6  }
0x9: {  	s29 =	sshll.u32 s2, $0x1;
	s10 =	sadd.s32 $0x22800, s5;
	s12 =	sadd.s32 $0x504800, s5  }
0xa: {  	s13 =	smul.u32 $0x4E200, s2;
	_ =	strace $0x80000047;
	s6 =	sor.u32 s8, s29  }
0xb: {  	s9 =	ssub.s32 $0x2, s8;
	s7 =	sshll.u32 s6, $0xB;
	s6 =	smul.u32 $0x138800, s6  }
0xc: {  	s14 =	smul.u32 $0x27100, s8;
	s11 =	sshrl.u32 s9, $0x1;
	s31 =	sadd.s32 s13, s12  }
0xd: {  	s7 =	sadd.s32 s7, s5;
	s9 =	ssub.s32 s9, s11;
	s6 =	sshrl.u32 s6, $0x3  }
0xe: {  	s11 =	sadd.s32 s14, s31;
	s5 =	sadd.s32 $0x12800, s7;
	s30 =	sadd.s32 $0x26C00, s6  }
0xf: {  	s9 =	smax.u32 s9, $0x1;
	s6 =	sadd.s32 $0x2800, s7;
	s7 =	sadd.s32 s10, s30  }
0x10: {  	s8 =	sadd.s32 s12, s30;
	s10 =	sadd.s32 s13, s10;
	s12 =	simm.s32 $0x5  }
0x11: {  	s13 =	simm.s32 $0x4000;
	s10 =	sadd.s32 s14, s10;
	s14 =	simm.s32 $0x50  }
.LBB2_1:
0x12: {  	[tilespmem:s4], [sflag:$0x5] =	stream.linear.gather [hbm4b:s5+s4], $0x3E80, $0x38;
	[tilespmem:$0x12000] =	vst v63  }
0x13: {  	_ =	swait.ge [sflag:s12], $0x3E80  }
0x14: {  	[sflag:s12] =	ssyncset.done $0x0  }
0x15: {  	[sflag:s12] =	ssyncadd.s32 $0xFFFFC180  }
0x16: {  	[tilespmem:s13], [sflag:$0x5] =	stream.linear.gather [hbm4b:s6+s4], $0x3E80, $0x38;
	[tilespmem:$0x12000] =	vst v63  }
0x17: {  	_ =	swait.ge [sflag:s12], $0x3E80  }
0x18: {  	[sflag:s12] =	ssyncset.done $0x0  }
0x19: {  	[sflag:s12] =	ssyncadd.s32 $0xFFFFC180  }
0x1a: {  	[tilespmem:s15], [sflag:$0x1] =	stream.indirect.gather [hbm4b:s1+s14], $0x80, s4, s14, $0xb8;
	[tilespmem:$0x12000] =	vst v63  }
0x1b: {  	_ = 	snop  }
0x1c: {  	[tilespmem:s16], [sflag:$0x1] =	stream.indirect.gather [hbm4b:s3+s14], $0x80, s13, s14, $0xb8;
	[tilespmem:$0x12000] =	vst v63  }
0x1d: {  	_ =	swait.ge [sflag:s17], $0x2800  }
0x1e: {  	[sflag:s17] =	ssyncset.done $0x0  }
0x1f: {  	[sflag:s17] =	ssyncadd.s32 $0xFFFFD800  }
0x20: {  	_ =	swait.ge [sflag:s17], $0x2800  }
0x21: {  	[sflag:s17] =	ssyncset.done $0x0  }
0x22: {  	s24 =	simm.s32 $0x80;
	[sflag:s17] =	ssyncadd.s32 $0xFFFFD800  }
0x23: {  	[tilespmem:s18], [sflag:$0x2] =	stream.indirect.gather [hbm4b:s1+s14], $0x80, s24, s14, $0xb8;
	[tilespmem:$0x12000] =	vst v63  }
0x24: {  	s26 =	simm.s32 $0x4080  }
0x25: {  	[tilespmem:s19], [sflag:$0x2] =	stream.indirect.gather [hbm4b:s3+s14], $0x80, s26, s14, $0xb8;
	[tilespmem:$0x12000] =	vst v63  }
0x26: {  	_ = 	snop  }
0x27: {  	[hbm4b:s10+s4] =	stream.linear.scatter [tilespmem:s15], [sflag:$0x3], $0x2800, $0x38;
	[tilespmem:$0x12000] =	vst v63  }
0x28: {  	_ = 	snop  }
0x29: {  	[hbm4b:s11+s4] =	stream.linear.scatter [tilespmem:s16], [sflag:$0x3], $0x2800, $0x38;
	[tilespmem:$0x12000] =	vst v63  }
0x2a: {  	_ =	swait.ge [sflag:s20], $0x2800  }
0x2b: {  	[sflag:s20] =	ssyncset.done $0x0  }
0x2c: {  	[sflag:s20] =	ssyncadd.s32 $0xFFFFD800  }
0x2d: {  	_ =	swait.ge [sflag:s20], $0x2800  }
0x2e: {  	[sflag:s20] =	ssyncset.done $0x0  }
0x2f: {  	[sflag:s20] =	ssyncadd.s32 $0xFFFFD800  }
0x30: {  	_ =	swait.ge [sflag:s21], $0x2800  }
0x31: {  	[sflag:s21] =	ssyncset.done $0x0  }
0x32: {  	[sflag:s21] =	ssyncadd.s32 $0xFFFFD800  }
0x33: {  	_ =	swait.ge [sflag:s21], $0x2800  }
0x34: {  	[sflag:s21] =	ssyncset.done $0x0  }
0x35: {  	s28 =	simm.s32 $0x100;
	[sflag:s21] =	ssyncadd.s32 $0xFFFFD800  }
0x36: {  	[tilespmem:s15], [sflag:$0x1] =	stream.indirect.gather [hbm4b:s1+s14], $0x80, s28, s14, $0xb8;
	[tilespmem:$0x12000] =	vst v63  }
0x37: {  	s29 =	simm.s32 $0x4100  }
0x38: {  	[tilespmem:s16], [sflag:$0x1] =	stream.indirect.gather [hbm4b:s3+s14], $0x80, s29, s14, $0xb8;
	[tilespmem:$0x12000] =	vst v63  }
0x39: {  	s30 =	sadd.s32 $0x500, s10  }
0x3a: {  	[hbm4b:s30+s4] =	stream.linear.scatter [tilespmem:s18], [sflag:$0x4], $0x2800, $0x38;
	[tilespmem:$0x12000] =	vst v63  }
0x3b: {  	s31 =	sadd.s32 $0x500, s11  }
0x3c: {  	[hbm4b:s31+s4] =	stream.linear.scatter [tilespmem:s19], [sflag:$0x4], $0x2800, $0x38;
	[tilespmem:$0x12000] =	vst v63  }
0x3d: {  	_ =	swait.ge [sflag:s22], $0x2800  }
0x3e: {  	[sflag:s22] =	ssyncset.done $0x0  }
0x3f: {  	[sflag:s22] =	ssyncadd.s32 $0xFFFFD800  }
0x40: {  	s25 =	smov.u32 s10;
	_ =	swait.ge [sflag:s22], $0x2800  }
0x41: {  	s24 =	simm.s32 $0x400;
	s26 =	smov.u32 s11;
	[sflag:s22] =	ssyncset.done $0x0  }
.LBB2_2:
0x42: {  	[sflag:s22] =	ssyncadd.s32 $0xFFFFD800  }
0x43: {  	s25 =	sadd.s32 $0xA00, s25;
	s26 =	sadd.s32 $0xA00, s26;
	s28 =	smov.u32 s24  }
0x44: {  	p0 =	sne.s32 s24, $0xF400;
	s24 =	sadd.s32 $0x400, s24;
	_ =	swait.ge [sflag:s17], $0x2800  }
0x45: {  	[sflag:s17] =	ssyncset.done $0x0  }
0x46: {  	[sflag:s17] =	ssyncadd.s32 $0xFFFFD800  }
0x47: {  	_ =	swait.ge [sflag:s17], $0x2800  }
0x48: {  	s28 =	sshra.s32 s28, $0x2;
	[sflag:s17] =	ssyncset.done $0x0  }
0x49: {  	s29 =	sadd.s32 $0x80, s28;
	[sflag:s17] =	ssyncadd.s32 $0xFFFFD800  }
0x4a: {  	[tilespmem:s18], [sflag:$0x2] =	stream.indirect.gather [hbm4b:s1+s14], $0x80, s29, s14, $0xb8;
	[tilespmem:$0x12000] =	vst v63  }
0x4b: {  	s29 =	sadd.s32 $0x4080, s28  }
0x4c: {  	[tilespmem:s19], [sflag:$0x2] =	stream.indirect.gather [hbm4b:s3+s14], $0x80, s29, s14, $0xb8;
	[tilespmem:$0x12000] =	vst v63  }
0x4d: {  	_ = 	snop  }
0x4e: {  	[hbm4b:s25+s4] =	stream.linear.scatter [tilespmem:s15], [sflag:$0x3], $0x2800, $0x38;
	[tilespmem:$0x12000] =	vst v63  }
0x4f: {  	_ = 	snop  }
0x50: {  	[hbm4b:s26+s4] =	stream.linear.scatter [tilespmem:s16], [sflag:$0x3], $0x2800, $0x38;
	[tilespmem:$0x12000] =	vst v63  }
0x51: {  	_ =	swait.ge [sflag:s20], $0x2800  }
0x52: {  	[sflag:s20] =	ssyncset.done $0x0  }
0x53: {  	[sflag:s20] =	ssyncadd.s32 $0xFFFFD800  }
0x54: {  	_ =	swait.ge [sflag:s20], $0x2800  }
0x55: {  	[sflag:s20] =	ssyncset.done $0x0  }
0x56: {  	[sflag:s20] =	ssyncadd.s32 $0xFFFFD800  }
0x57: {  	_ =	swait.ge [sflag:s21], $0x2800  }
0x58: {  	[sflag:s21] =	ssyncset.done $0x0  }
0x59: {  	[sflag:s21] =	ssyncadd.s32 $0xFFFFD800  }
0x5a: {  	_ =	swait.ge [sflag:s21], $0x2800  }
0x5b: {  	[sflag:s21] =	ssyncset.done $0x0  }
0x5c: {  	s29 =	sadd.s32 $0x100, s28;
	[sflag:s21] =	ssyncadd.s32 $0xFFFFD800  }
0x5d: {  	[tilespmem:s15], [sflag:$0x1] =	stream.indirect.gather [hbm4b:s1+s14], $0x80, s29, s14, $0xb8;
	[tilespmem:$0x12000] =	vst v63  }
0x5e: {  	s28 =	sadd.s32 $0x4100, s28  }
0x5f: {  	[tilespmem:s16], [sflag:$0x1] =	stream.indirect.gather [hbm4b:s3+s14], $0x80, s28, s14, $0xb8;
	[tilespmem:$0x12000] =	vst v63  }
0x60: {  	s28 =	sadd.s32 $0x500, s25  }
0x61: {  	[hbm4b:s28+s4] =	stream.linear.scatter [tilespmem:s18], [sflag:$0x4], $0x2800, $0x38;
	[tilespmem:$0x12000] =	vst v63  }
0x62: {  	s28 =	sadd.s32 $0x500, s26  }
0x63: {  	[hbm4b:s28+s4] =	stream.linear.scatter [tilespmem:s19], [sflag:$0x4], $0x2800, $0x38;
	[tilespmem:$0x12000] =	vst v63  }
.Ltmp0:
0x64: {  	_ =	swait.ge [sflag:s22], $0x2800;
	(pc) =	sbr.rel @p0 .LBB2_2-.Ltmp0, $4  }
0x65: {  	[sflag:s22] =	ssyncset.done $0x0  }
0x66: {  	[sflag:s22] =	ssyncadd.s32 $0xFFFFD800  }
0x67: {  	_ =	swait.ge [sflag:s22], $0x2800  }
0x68: {  	[sflag:s22] =	ssyncset.done $0x0  }
0x69: {  	[sflag:s22] =	ssyncadd.s32 $0xFFFFD800  }
0x6a: {  	_ =	swait.ge [sflag:s17], $0x2800  }
0x6b: {  	[sflag:s17] =	ssyncset.done $0x0  }
0x6c: {  	[sflag:s17] =	ssyncadd.s32 $0xFFFFD800  }
0x6d: {  	_ =	swait.ge [sflag:s17], $0x2800  }
0x6e: {  	[sflag:s17] =	ssyncset.done $0x0  }
0x6f: {  	[sflag:s17] =	ssyncadd.s32 $0xFFFFD800  }
0x70: {  	[hbm4b:s7+s4] =	stream.linear.scatter [tilespmem:s15], [sflag:$0x3], $0x2800, $0x38;
	[tilespmem:$0x12000] =	vst v63  }
0x71: {  	s23 =	sadd.s32 $0x1, s23  }
0x72: {  	[hbm4b:s8+s4] =	stream.linear.scatter [tilespmem:s16], [sflag:$0x3], $0x2800, $0x38;
	[tilespmem:$0x12000] =	vst v63  }
0x73: {  	p0 =	sne.s32 s23, s9;
	_ =	swait.ge [sflag:s21], $0x2800  }
.Ltmp1:
0x74: {  	[sflag:s21] =	ssyncset.done $0x0;
	(pc) =	sbr.rel @p0 .LBB2_1-.Ltmp1, $4  }
0x75: {  	[sflag:s21] =	ssyncadd.s32 $0xFFFFD800  }
0x76: {  	_ =	swait.ge [sflag:s21], $0x2800  }
0x77: {  	[sflag:s21] =	ssyncset.done $0x0  }
0x78: {  	[sflag:s21] =	ssyncadd.s32 $0xFFFFD800  }
0x79: {  	_ =	sfence.sel $0x180000  }
0x7a: {  	[bflag:$0x0] =	sbarrier.arrive $0xFFFF  }
0x7b: {  	p0 =	sne.s32 s2, $0x0;
	_ =	strace $0x90000047  }
0x7c: {  	s0 =	sadd.s32 @!p0 $0x100000, s0;
	[bflag:$0x2] =	sbarrier.arrive $0xFFFF  }
0x7d: {  	[sflag:s0] =	ssyncadd.tile.s32 @!p0 $0x1;
	_ =	shalt  }
.Lfunc_end2:
_tile_overlayer_lowered:
.L_overlay_start_2:
0x7e: {  	(tag) =	ssettag $0x2  }
0x7f: {  	s0 =	rddreg [dreg:$0x0];
	s2 =	stileid.u32  }
0x80: {  	s1 =	rddreg [dreg:$0x1];
	p0 =	sne.s32 s2, $0x0  }
0x81: {  	s3 =	rddreg [dreg:$0x2];
	[bflag:$0x3] =	sbarrier.arrive $0xFFFF;
	s2 =	simm.s32 @!p0 $0x1C05  }
0x82: {  	[timem:s3], [sflag:s2] =	dma.local @!p0 [hbm:s0], s1  }
0x83: {  	s0 =	simm.s32 @!p0 $0x5  }
0x84: {  	_ =	swait.ge @!p0 [sflag:s0], s1  }
0x85: {  	s1 =	ssub.s32 @!p0 $0x0, s1;
	[sflag:s0] =	ssyncset.done @!p0 $0x0  }
0x86: {  	[sflag:s0] =	ssyncadd.s32 @!p0 s1  }
0x87: {  	[bflag:$0x3] =	sbarrier.arrive $0xFFFF  }
0x88: {  	_ =	shalt  }

</sc_bundles>
